<compile_context>
chip_gen: v7x
topology: tpu7x:2x2x1
jax: 0.10.2.dev20260603
libtpu: 0.0.44.dev20260713+nightly
codegen_flags: <defaults>
</compile_context>

<pallas_src>
import functools

import jax
import jax.numpy as jnp
from jax import lax
from jax.experimental import pallas as pl
from jax.experimental.pallas import tpu as pltpu
from jax.experimental.pallas import tpu_sc as plsc

N = 10000
E = 320000
D = 128
H = 32

NC = 2
NS = 16
NW = NC * NS
CHUNK = 128
CH = 80
E2 = NW * CH * CHUNK
CH1 = E2 // (NS * CHUNK)
NP = 10240
RPT = NP // NS

_SC_PARAMS = pltpu.CompilerParams(use_tc_tiling_on_sc=False,
                                  needs_layout_passes=False)


def _matmul1_body(x_ref, w_ref, b_ref, xa_ref, y_ref):
    x = x_ref[...]
    xa_ref[...] = jnp.dot(x, w_ref[0:D, :],
                          preferred_element_type=jnp.float32) + b_ref[...]
    y_ref[...] = jnp.dot(x, w_ref[D:, :], preferred_element_type=jnp.float32)


def _layer1_matmul(xp, W1, b1):
    return pl.pallas_call(
        _matmul1_body,
        out_shape=(jax.ShapeDtypeStruct((NP, H), jnp.float32),
                   jax.ShapeDtypeStruct((NP, H), jnp.float32)),
    )(xp, W1, b1)


def _sc_agg_body(y_hbm, row_hbm, col_hbm, zf_hbm, zd_hbm,
                 parts_hbm, degp_hbm,
                 acc_sh, deg_sh, row_v, col_v, b0, b1, b2, b3, ones_v,
                 gs0, gs1, gs2, gs3, sc0, sc1, sc2, sc3,
                 ds0, ds1, ds2, ds3, ssem):
    c = lax.axis_index("c")
    s = lax.axis_index("s")
    wid = s * NC + c

    pltpu.async_copy(zf_hbm.at[pl.ds(s * RPT, RPT)],
                     acc_sh.at[pl.ds(s * RPT, RPT)], ssem)
    pltpu.async_copy(zd_hbm.at[pl.ds(s * RPT, RPT)],
                     deg_sh.at[pl.ds(s * RPT, RPT)], ssem)
    pltpu.async_copy(row_hbm.at[pl.ds(wid * CH, CH)], row_v, ssem)
    pltpu.async_copy(col_hbm.at[pl.ds(wid * CH, CH)], col_v, ssem)

    def init_ones(k, carry):
        ones_v[pl.ds(k * 16, 16)] = jnp.ones((16,), jnp.float32)
        return carry
    lax.fori_loop(0, CHUNK // 16, init_ones, 0)

    pltpu.make_async_copy(zf_hbm.at[pl.ds(s * RPT, RPT)],
                          acc_sh.at[pl.ds(s * RPT, RPT)], ssem).wait()
    pltpu.make_async_copy(zd_hbm.at[pl.ds(s * RPT, RPT)],
                          deg_sh.at[pl.ds(s * RPT, RPT)], ssem).wait()
    pltpu.make_async_copy(row_hbm.at[pl.ds(wid * CH, CH)], row_v, ssem).wait()
    pltpu.make_async_copy(col_hbm.at[pl.ds(wid * CH, CH)], col_v, ssem).wait()

    plsc.subcore_barrier()

    bufs = (b0, b1, b2, b3)
    gsems = (gs0, gs1, gs2, gs3)
    scsems = (sc0, sc1, sc2, sc3)
    dsems = (ds0, ds1, ds2, ds3)

    def g_start(j, x):
        pltpu.async_copy(y_hbm.at[col_v.at[j]], bufs[x], gsems[x])

    def g_wait(j, x):
        pltpu.make_async_copy(y_hbm.at[col_v.at[j]], bufs[x],
                              gsems[x]).wait()

    def sc_start(j, x):
        pltpu.async_copy(bufs[x], acc_sh.at[row_v.at[j]], scsems[x], add=True)
        pltpu.async_copy(ones_v, deg_sh.at[row_v.at[j]], dsems[x], add=True)

    def sc_wait(j, x):
        pltpu.make_async_copy(bufs[x], acc_sh.at[row_v.at[j]],
                              scsems[x]).wait()
        pltpu.make_async_copy(ones_v, deg_sh.at[row_v.at[j]],
                              dsems[x]).wait()

    g_start(0, 0)
    g_start(1, 1)
    g_wait(0, 0)
    sc_start(0, 0)
    g_start(2, 2)
    g_wait(1, 1)
    sc_start(1, 1)
    g_start(3, 3)

    def quad(j4, carry):
        base = 4 * j4 + 2
        for off in range(4):
            j = base + off
            x = (2 + off) % 4
            g_wait(j, x)
            sc_start(j, x)
            sc_wait(j - 2, (x + 2) % 4)
            g_start(j + 2, (x + 2) % 4)
        return carry
    lax.fori_loop(0, (CH - 4) // 4, quad, 0)

    g_wait(CH - 2, 2)
    sc_start(CH - 2, 2)
    sc_wait(CH - 4, 0)
    g_wait(CH - 1, 3)
    sc_start(CH - 1, 3)
    sc_wait(CH - 3, 1)
    sc_wait(CH - 2, 2)
    sc_wait(CH - 1, 3)

    plsc.subcore_barrier()

    pltpu.sync_copy(acc_sh.at[pl.ds(s * RPT, RPT)],
                    parts_hbm.at[pl.ds(c * NP + s * RPT, RPT)])
    pltpu.sync_copy(deg_sh.at[pl.ds(s * RPT, RPT)],
                    degp_hbm.at[pl.ds(c * NP + s * RPT, RPT)])


_sc_agg = functools.partial(
    pl.kernel,
    _sc_agg_body,
    out_type=(jax.ShapeDtypeStruct((2 * NP, H), jnp.float32),
              jax.ShapeDtypeStruct((2 * NP,), jnp.float32)),
    mesh=plsc.VectorSubcoreMesh(core_axis_name="c", subcore_axis_name="s"),
    compiler_params=_SC_PARAMS,
    scratch_types=[
        pltpu.VMEM_SHARED((NP, H), jnp.float32),
        pltpu.VMEM_SHARED((NP,), jnp.float32),
        pltpu.VMEM((CH, CHUNK), jnp.int32),
        pltpu.VMEM((CH, CHUNK), jnp.int32),
        pltpu.VMEM((CHUNK, H), jnp.float32),
        pltpu.VMEM((CHUNK, H), jnp.float32),
        pltpu.VMEM((CHUNK, H), jnp.float32),
        pltpu.VMEM((CHUNK, H), jnp.float32),
        pltpu.VMEM((CHUNK,), jnp.float32),
        pltpu.SemaphoreType.DMA,
        pltpu.SemaphoreType.DMA,
        pltpu.SemaphoreType.DMA,
        pltpu.SemaphoreType.DMA,
        pltpu.SemaphoreType.DMA,
        pltpu.SemaphoreType.DMA,
        pltpu.SemaphoreType.DMA,
        pltpu.SemaphoreType.DMA,
        pltpu.SemaphoreType.DMA,
        pltpu.SemaphoreType.DMA,
        pltpu.SemaphoreType.DMA,
        pltpu.SemaphoreType.DMA,
        pltpu.SemaphoreType.DMA,
    ],
)()


def _mid_body(xa_ref, p0_ref, p1_ref, d0_ref, d1_ref, w2_ref, b2_ref,
              h2_ref, z2_ref, deg_ref):
    deg = jnp.maximum(d0_ref[...] + d1_ref[...], 1.0)
    agg = (p0_ref[...] + p1_ref[...]) / deg
    h = jnp.maximum(xa_ref[...] + agg, 0.0)
    hb = jnp.dot(h, w2_ref[...],
                 preferred_element_type=jnp.float32) + b2_ref[...]
    h2_ref[...] = hb[:, 0:1]
    z2_ref[...] = hb[:, 1:2]
    deg_ref[...] = deg


def _mid(xa, p0, p1, d0, d1, W2cat, b2cat):
    return pl.pallas_call(
        _mid_body,
        out_shape=(jax.ShapeDtypeStruct((NP, 1), jnp.float32),
                   jax.ShapeDtypeStruct((NP, 1), jnp.float32),
                   jax.ShapeDtypeStruct((NP, 1), jnp.float32)),
    )(xa, p0, p1, d0, d1, W2cat, b2cat)


def _sc_agg2_body(z_hbm, h2_hbm, deg_hbm, row_hbm, col_hbm, zd_hbm,
                  out_hbm,
                  acc_sh, z_v, row_v, col_v, val0, val1, fin_v, ssem):
    s = lax.axis_index("s")

    pltpu.async_copy(zd_hbm.at[pl.ds(s * RPT, RPT)],
                     acc_sh.at[pl.ds(s * RPT, RPT)], ssem)
    pltpu.async_copy(z_hbm, z_v, ssem)
    pltpu.async_copy(row_hbm.at[pl.ds(s * CH1, CH1)], row_v, ssem)
    pltpu.async_copy(col_hbm.at[pl.ds(s * CH1, CH1)], col_v, ssem)
    pltpu.make_async_copy(zd_hbm.at[pl.ds(s * RPT, RPT)],
                          acc_sh.at[pl.ds(s * RPT, RPT)], ssem).wait()
    pltpu.make_async_copy(z_hbm, z_v, ssem).wait()
    pltpu.make_async_copy(row_hbm.at[pl.ds(s * CH1, CH1)], row_v, ssem).wait()
    pltpu.make_async_copy(col_hbm.at[pl.ds(s * CH1, CH1)], col_v, ssem).wait()

    plsc.subcore_barrier()

    def fill(j, val_v):
        for k in range(CHUNK // 16):
            cidx = col_v[j, pl.ds(k * 16, 16)]
            val_v[pl.ds(k * 16, 16)] = plsc.load_gather(z_v, [cidx])

    fill(0, val0)
    pltpu.async_copy(val0, acc_sh.at[row_v.at[0]], ssem, add=True)

    def chunk(j2, carry):
        j0 = 2 * j2
        j1 = j0 + 1
        fill(j1, val1)
        pltpu.make_async_copy(val0, acc_sh.at[row_v.at[j0]], ssem).wait()
        pltpu.async_copy(val1, acc_sh.at[row_v.at[j1]], ssem, add=True)
        fill(j0 + 2, val0)
        pltpu.make_async_copy(val1, acc_sh.at[row_v.at[j1]], ssem).wait()
        pltpu.async_copy(val0, acc_sh.at[row_v.at[j0 + 2]], ssem, add=True)
        return carry
    lax.fori_loop(0, CH1 // 2 - 1, chunk, 0)

    fill(CH1 - 1, val1)
    pltpu.make_async_copy(val0, acc_sh.at[row_v.at[CH1 - 2]], ssem).wait()
    pltpu.async_copy(val1, acc_sh.at[row_v.at[CH1 - 1]], ssem, add=True)
    pltpu.make_async_copy(val1, acc_sh.at[row_v.at[CH1 - 1]], ssem).wait()

    plsc.subcore_barrier()

    pltpu.sync_copy(acc_sh.at[pl.ds(s * RPT, RPT)], z_v.at[pl.ds(0, RPT)])
    pltpu.sync_copy(h2_hbm.at[pl.ds(s * RPT, RPT)], z_v.at[pl.ds(RPT, RPT)])
    pltpu.sync_copy(deg_hbm.at[pl.ds(s * RPT, RPT)],
                    z_v.at[pl.ds(2 * RPT, RPT)])

    def combine(k, carry):
        a = z_v[pl.ds(k * 16, 16)]
        h2 = z_v[pl.ds(RPT + k * 16, 16)]
        dg = z_v[pl.ds(2 * RPT + k * 16, 16)]
        fin_v[pl.ds(k * 16, 16)] = h2 + a / dg
        return carry
    lax.fori_loop(0, RPT // 16, combine, 0)

    pltpu.sync_copy(fin_v, out_hbm.at[pl.ds(s * RPT, RPT)])


_sc_agg2 = functools.partial(
    pl.kernel,
    _sc_agg2_body,
    out_type=jax.ShapeDtypeStruct((NP,), jnp.float32),
    mesh=plsc.VectorSubcoreMesh(core_axis_name="c", subcore_axis_name="s",
                                num_cores=1),
    compiler_params=_SC_PARAMS,
    scratch_types=[
        pltpu.VMEM_SHARED((NP,), jnp.float32),
        pltpu.VMEM((NP,), jnp.float32),
        pltpu.VMEM((CH1, CHUNK), jnp.int32),
        pltpu.VMEM((CH1, CHUNK), jnp.int32),
        pltpu.VMEM((CHUNK,), jnp.float32),
        pltpu.VMEM((CHUNK,), jnp.float32),
        pltpu.VMEM((RPT,), jnp.float32),
        pltpu.SemaphoreType.DMA,
    ],
)()


def kernel(x, edge_index, W1, b1, W2, b2):
    row = edge_index[0]
    col = edge_index[1]

    pad = E2 - E
    padr = N + (jnp.arange(pad, dtype=jnp.int32) % (NP - N))
    padc = jnp.arange(pad, dtype=jnp.int32) % (NP - N)
    rowp = jnp.concatenate([row, padr]).reshape(NW * CH, CHUNK)
    colp = jnp.concatenate([col, padc]).reshape(NW * CH, CHUNK)

    xp = jnp.pad(x, ((0, NP - N), (0, 0)))
    b1r = b1.reshape(1, H)
    W2cat = jnp.concatenate([W2[:H], W2[H:]], axis=1)
    b2cat = jnp.stack([b2[0], jnp.zeros((), jnp.float32)]).reshape(1, 2)

    zf = jnp.zeros((NP, H), jnp.float32)
    zd = jnp.zeros((NP,), jnp.float32)

    xa, y = _layer1_matmul(xp, W1, b1r)
    parts, degp = _sc_agg(y, rowp, colp, zf, zd)
    h2, z2, deg = _mid(xa, parts[:NP], parts[NP:], degp[:NP].reshape(NP, 1),
                       degp[NP:].reshape(NP, 1), W2cat, b2cat)

    out = _sc_agg2(z2.reshape(NP), h2.reshape(NP), deg.reshape(NP),
                   rowp, colp, zd)
    return out[:N].reshape(N, 1)

# --- scband reference (transcript-rebuilt; emitter-appended) ---
"""Pipeline reference for scband-graph-net-54666343743722 (READ-ONLY COPY).

The authoritative reference and input builder live on the scoring server;
editing this copy changes nothing except your own understanding.
"""

import jax, jax.numpy as jnp
import numpy as np

N = 10000
E = 320000
D = 128
H = 32
O = 1


def setup_inputs(seed: int = 0) -> dict:
    key = jax.random.key(seed)
    k1, k2, k3, k4, k5, k6 = jax.random.split(key, 6)
    x = jax.random.normal(k1, (N, D), dtype=jnp.float32)
    edge_index = jax.random.randint(k2, (2, E), 0, N, dtype=jnp.int32)
    # Layer 1: Linear(2*D -> H)
    W1 = jax.random.normal(k3, (2 * D, H), dtype=jnp.float32) / np.sqrt(2 * D)
    b1 = jax.random.normal(k4, (H,), dtype=jnp.float32) / np.sqrt(2 * D)
    # Layer 2: Linear(2*H -> O)
    W2 = jax.random.normal(k5, (2 * H, O), dtype=jnp.float32) / np.sqrt(2 * H)
    b2 = jax.random.normal(k6, (O,), dtype=jnp.float32) / np.sqrt(2 * H)
    return {"x": x, "edge_index": edge_index, "W1": W1, "b1": b1, "W2": W2, "b2": b2}


def _sage_layer(x, edge_index, W, b):
    row = edge_index[0]
    col = edge_index[1]
    # scatter-add of gathered source features onto destination nodes
    agg = jnp.zeros_like(x).at[row].add(x[col])
    deg = jnp.bincount(row, length=x.shape[0])
    deg = jnp.clip(deg, 1, None).astype(x.dtype)[:, None]
    agg = agg / deg
    out = jnp.concatenate([x, agg], axis=-1)
    return out @ W + b


def reference(x, edge_index, W1, b1, W2, b2):
    h = jax.nn.relu(_sage_layer(x, edge_index, W1, b1))
    return _sage_layer(h, edge_index, W2, b2)

if __name__ == "__main__":
    import jax
    _d = setup_inputs()
    print(jax.jit(kernel)(*tuple(_d.values())))

</pallas_src>

<mosaic_0001>
#map = affine_map<(d0, d1) -> (0, 0)>
#map1 = affine_map<(d0, d1) -> (0)>
module attributes {stable_mosaic.version = 14 : i64} {
  func.func @_sc_agg_body(%arg0: i32, %arg1: i32, %arg2: memref<10240x32xf32, #tpu.memory_space<hbm>>, %arg3: memref<2560x128xi32, #tpu.memory_space<hbm>>, %arg4: memref<2560x128xi32, #tpu.memory_space<hbm>>, %arg5: memref<10240x32xf32, #tpu.memory_space<hbm>>, %arg6: memref<10240xf32, #tpu.memory_space<hbm>>, %arg7: memref<20480x32xf32, #tpu.memory_space<hbm>>, %arg8: memref<20480xf32, #tpu.memory_space<hbm>>, %arg9: memref<10240x32xf32, #tpu.memory_space<vmem_shared>>, %arg10: memref<10240xf32, #tpu.memory_space<vmem_shared>>, %arg11: memref<80x128xi32, #tpu.memory_space<vmem>>, %arg12: memref<80x128xi32, #tpu.memory_space<vmem>>, %arg13: memref<128x32xf32, #tpu.memory_space<vmem>>, %arg14: memref<128x32xf32, #tpu.memory_space<vmem>>, %arg15: memref<128x32xf32, #tpu.memory_space<vmem>>, %arg16: memref<128x32xf32, #tpu.memory_space<vmem>>, %arg17: memref<128xf32, #tpu.memory_space<vmem>>, %arg18: memref<!tpu.dma_semaphore, #tpu.memory_space<semaphore_mem>>, %arg19: memref<!tpu.dma_semaphore, #tpu.memory_space<semaphore_mem>>, %arg20: memref<!tpu.dma_semaphore, #tpu.memory_space<semaphore_mem>>, %arg21: memref<!tpu.dma_semaphore, #tpu.memory_space<semaphore_mem>>, %arg22: memref<!tpu.dma_semaphore, #tpu.memory_space<semaphore_mem>>, %arg23: memref<!tpu.dma_semaphore, #tpu.memory_space<semaphore_mem>>, %arg24: memref<!tpu.dma_semaphore, #tpu.memory_space<semaphore_mem>>, %arg25: memref<!tpu.dma_semaphore, #tpu.memory_space<semaphore_mem>>, %arg26: memref<!tpu.dma_semaphore, #tpu.memory_space<semaphore_mem>>, %arg27: memref<!tpu.dma_semaphore, #tpu.memory_space<semaphore_mem>>, %arg28: memref<!tpu.dma_semaphore, #tpu.memory_space<semaphore_mem>>, %arg29: memref<!tpu.dma_semaphore, #tpu.memory_space<semaphore_mem>>, %arg30: memref<!tpu.dma_semaphore, #tpu.memory_space<semaphore_mem>>) attributes {dimension_semantics = [#tpu.dimension_semantics<core_parallel>, #tpu.dimension_semantics<subcore_parallel>], iteration_bounds = array<i64: 2, 16>, scalar_prefetch = 0 : i64, scratch_operands = 22 : i64, tpu.core_type = #tpu.core_type<sc_vector_subcore>, window_params = [{transform_indices = #map}, {transform_indices = #map}, {transform_indices = #map}, {transform_indices = #map}, {transform_indices = #map1}, {transform_indices = #map}, {transform_indices = #map1}]} {
    %mul3A = arith.constant 2 : i32
    %mul3A_0 = arith.muli %arg1, %mul3A : i32
    %add3A = arith.addi %mul3A_0, %arg0 : i32
    %mul3A_1 = arith.constant 640 : i32
    %mul3A_2 = arith.muli %arg1, %mul3A_1 : i32
    %mul3A_3 = arith.constant 640 : i32
    %mul3A_4 = arith.muli %arg1, %mul3A_3 : i32
    %dma_start3A = arith.constant 0 : i32
    %dma_start3A_5 = tpu.memref_slice %arg9[%mul3A_4, %dma_start3A] : memref<10240x32xf32, #tpu.memory_space<vmem_shared>> -> memref<640x32xf32, #tpu.memory_space<vmem_shared>>
    %dma_start3A_6 = arith.constant 0 : i32
    %dma_start3A_7 = tpu.memref_slice %arg5[%mul3A_2, %dma_start3A_6] : memref<10240x32xf32, #tpu.memory_space<hbm>> -> memref<640x32xf32, #tpu.memory_space<hbm>>
    tpu.enqueue_dma source(%dma_start3A_7 : memref<640x32xf32, #tpu.memory_space<hbm>>) target(%dma_start3A_5 : memref<640x32xf32, #tpu.memory_space<vmem_shared>>) target_semaphore(%arg30 : memref<!tpu.dma_semaphore, #tpu.memory_space<semaphore_mem>>)
    %mul3A_8 = arith.constant 640 : i32
    %mul3A_9 = arith.muli %arg1, %mul3A_8 : i32
    %mul3A_10 = arith.constant 640 : i32
    %mul3A_11 = arith.muli %arg1, %mul3A_10 : i32
    %dma_start3A_12 = tpu.memref_slice %arg10[%mul3A_11] : memref<10240xf32, #tpu.memory_space<vmem_shared>> -> memref<640xf32, #tpu.memory_space<vmem_shared>>
    %dma_start3A_13 = tpu.memref_slice %arg6[%mul3A_9] : memref<10240xf32, #tpu.memory_space<hbm>> -> memref<640xf32, #tpu.memory_space<hbm>>
    tpu.enqueue_dma source(%dma_start3A_13 : memref<640xf32, #tpu.memory_space<hbm>>) target(%dma_start3A_12 : memref<640xf32, #tpu.memory_space<vmem_shared>>) target_semaphore(%arg30 : memref<!tpu.dma_semaphore, #tpu.memory_space<semaphore_mem>>)
    %mul3A_14 = arith.constant 80 : i32
    %mul3A_15 = arith.muli %add3A, %mul3A_14 : i32
    %dma_start3A_16 = arith.constant 0 : i32
    %dma_start3A_17 = tpu.memref_slice %arg3[%mul3A_15, %dma_start3A_16] : memref<2560x128xi32, #tpu.memory_space<hbm>> -> memref<80x128xi32, #tpu.memory_space<hbm>>
    %dma_start3A_18 = arith.constant 0 : i32
    %dma_start3A_19 = tpu.memref_slice %arg3[%mul3A_15, %dma_start3A_18] : memref<2560x128xi32, #tpu.memory_space<hbm>> -> memref<80x128xi32, #tpu.memory_space<hbm>>
    tpu.enqueue_dma source(%dma_start3A_19 : memref<80x128xi32, #tpu.memory_space<hbm>>) target(%arg11 : memref<80x128xi32, #tpu.memory_space<vmem>>) target_semaphore(%arg30 : memref<!tpu.dma_semaphore, #tpu.memory_space<semaphore_mem>>)
    %mul3A_20 = arith.constant 80 : i32
    %mul3A_21 = arith.muli %add3A, %mul3A_20 : i32
    %dma_start3A_22 = arith.constant 0 : i32
    %dma_start3A_23 = tpu.memref_slice %arg4[%mul3A_21, %dma_start3A_22] : memref<2560x128xi32, #tpu.memory_space<hbm>> -> memref<80x128xi32, #tpu.memory_space<hbm>>
    %dma_start3A_24 = arith.constant 0 : i32
    %dma_start3A_25 = tpu.memref_slice %arg4[%mul3A_21, %dma_start3A_24] : memref<2560x128xi32, #tpu.memory_space<hbm>> -> memref<80x128xi32, #tpu.memory_space<hbm>>
    tpu.enqueue_dma source(%dma_start3A_25 : memref<80x128xi32, #tpu.memory_space<hbm>>) target(%arg12 : memref<80x128xi32, #tpu.memory_space<vmem>>) target_semaphore(%arg30 : memref<!tpu.dma_semaphore, #tpu.memory_space<semaphore_mem>>)
    %scan3A = arith.constant 0 : i32
    %scan3A_26 = arith.constant 0 : i32
    %scan3A_27 = arith.constant 8 : i32
    %scan3A_28 = arith.addi %scan3A_26, %scan3A_27 : i32
    %scan3A_29 = arith.constant 1 : i32
    scf.for %scan3A_237 = %scan3A_26 to %scan3A_28 step %scan3A_29  : i32 {
      %broadcast_in_dim3A = arith.constant 1.000000e+00 : f32
      %broadcast_in_dim3A_238 = vector.broadcast %broadcast_in_dim3A : f32 to vector<16xf32>
      %mul3A_239 = arith.constant 16 : i32
      %mul3A_240 = arith.muli %scan3A_237, %mul3A_239 : i32
      %swap3A = arith.index_cast %mul3A_240 : i32 to index
      %swap3A_241 = tpu.vector_load %arg17[%swap3A] {strides = array<i32>} : memref<128xf32, #tpu.memory_space<vmem>>, vector<16xf32>,
      tpu.vector_store %arg17[%swap3A], %broadcast_in_dim3A_238 {strides = array<i32>} : memref<128xf32, #tpu.memory_space<vmem>>, vector<16xf32>,
    }
    %scan3A_30 = arith.constant 8 : i32
    %mul3A_31 = arith.constant 640 : i32
    %mul3A_32 = arith.muli %arg1, %mul3A_31 : i32
    %mul3A_33 = arith.constant 640 : i32
    %mul3A_34 = arith.muli %arg1, %mul3A_33 : i32
    %dma_wait3A = arith.constant 0 : i32
    %dma_wait3A_35 = tpu.memref_slice %arg9[%mul3A_34, %dma_wait3A] : memref<10240x32xf32, #tpu.memory_space<vmem_shared>> -> memref<640x32xf32, #tpu.memory_space<vmem_shared>>
    %dma_wait3A_36 = arith.constant 0 : i32
    %dma_wait3A_37 = tpu.memref_slice %arg5[%mul3A_32, %dma_wait3A_36] : memref<10240x32xf32, #tpu.memory_space<hbm>> -> memref<640x32xf32, #tpu.memory_space<hbm>>
    tpu.wait_dma2 semaphore(%arg30 : memref<!tpu.dma_semaphore, #tpu.memory_space<semaphore_mem>>) src(%dma_wait3A_37 : memref<640x32xf32, #tpu.memory_space<hbm>>) dst(%dma_wait3A_35 : memref<640x32xf32, #tpu.memory_space<vmem_shared>>)
    %mul3A_38 = arith.constant 640 : i32
    %mul3A_39 = arith.muli %arg1, %mul3A_38 : i32
    %mul3A_40 = arith.constant 640 : i32
    %mul3A_41 = arith.muli %arg1, %mul3A_40 : i32
    %dma_wait3A_42 = tpu.memref_slice %arg10[%mul3A_41] : memref<10240xf32, #tpu.memory_space<vmem_shared>> -> memref<640xf32, #tpu.memory_space<vmem_shared>>
    %dma_wait3A_43 = tpu.memref_slice %arg6[%mul3A_39] : memref<10240xf32, #tpu.memory_space<hbm>> -> memref<640xf32, #tpu.memory_space<hbm>>
    tpu.wait_dma2 semaphore(%arg30 : memref<!tpu.dma_semaphore, #tpu.memory_space<semaphore_mem>>) src(%dma_wait3A_43 : memref<640xf32, #tpu.memory_space<hbm>>) dst(%dma_wait3A_42 : memref<640xf32, #tpu.memory_space<vmem_shared>>)
    %mul3A_44 = arith.constant 80 : i32
    %mul3A_45 = arith.muli %add3A, %mul3A_44 : i32
    %dma_wait3A_46 = arith.constant 0 : i32
    %dma_wait3A_47 = tpu.memref_slice %arg3[%mul3A_45, %dma_wait3A_46] : memref<2560x128xi32, #tpu.memory_space<hbm>> -> memref<80x128xi32, #tpu.memory_space<hbm>>
    %dma_wait3A_48 = arith.constant 0 : i32
    %dma_wait3A_49 = tpu.memref_slice %arg3[%mul3A_45, %dma_wait3A_48] : memref<2560x128xi32, #tpu.memory_space<hbm>> -> memref<80x128xi32, #tpu.memory_space<hbm>>
    tpu.wait_dma2 semaphore(%arg30 : memref<!tpu.dma_semaphore, #tpu.memory_space<semaphore_mem>>) src(%dma_wait3A_49 : memref<80x128xi32, #tpu.memory_space<hbm>>) dst(%arg11 : memref<80x128xi32, #tpu.memory_space<vmem>>)
    %mul3A_50 = arith.constant 80 : i32
    %mul3A_51 = arith.muli %add3A, %mul3A_50 : i32
    %dma_wait3A_52 = arith.constant 0 : i32
    %dma_wait3A_53 = tpu.memref_slice %arg4[%mul3A_51, %dma_wait3A_52] : memref<2560x128xi32, #tpu.memory_space<hbm>> -> memref<80x128xi32, #tpu.memory_space<hbm>>
    %dma_wait3A_54 = arith.constant 0 : i32
    %dma_wait3A_55 = tpu.memref_slice %arg4[%mul3A_51, %dma_wait3A_54] : memref<2560x128xi32, #tpu.memory_space<hbm>> -> memref<80x128xi32, #tpu.memory_space<hbm>>
    tpu.wait_dma2 semaphore(%arg30 : memref<!tpu.dma_semaphore, #tpu.memory_space<semaphore_mem>>) src(%dma_wait3A_55 : memref<80x128xi32, #tpu.memory_space<hbm>>) dst(%arg12 : memref<80x128xi32, #tpu.memory_space<vmem>>)
    %barrier3A = arith.constant 0 : index
    tpu.barrier barrier_id(%barrier3A)
    %dma_start3A_56 = arith.constant 0 : i32
    %dma_start3A_57 = arith.constant 0 : i32
    %dma_start3A_58 = tpu.memref_slice %arg12[%dma_start3A_56, %dma_start3A_57] : memref<80x128xi32, #tpu.memory_space<vmem>> -> memref<1x128xi32, #tpu.memory_space<vmem>>
    %dma_start3A_59 = tpu.memref_squeeze %dma_start3A_58 : memref<1x128xi32, #tpu.memory_space<vmem>> -> memref<128xi32, #tpu.memory_space<vmem>>
    %dma_start3A_60 = arith.constant 0 : i32
    %dma_start3A_61 = arith.constant 0 : i32
    %dma_start3A_62 = tpu.memref_slice %arg2[%dma_start3A_60, %dma_start3A_61] : memref<10240x32xf32, #tpu.memory_space<hbm>> -> memref<10240x32xf32, #tpu.memory_space<hbm>>
    tpu.enqueue_indirect_dma source(%dma_start3A_62 : memref<10240x32xf32, #tpu.memory_space<hbm>>) target(%arg13 : memref<128x32xf32, #tpu.memory_space<vmem>>) offsets(%dma_start3A_59 : memref<128xi32, #tpu.memory_space<vmem>>) semaphore(%arg18 : memref<!tpu.dma_semaphore, #tpu.memory_space<semaphore_mem>>)
    %dma_start3A_63 = arith.constant 1 : i32
    %dma_start3A_64 = arith.constant 0 : i32
    %dma_start3A_65 = tpu.memref_slice %arg12[%dma_start3A_63, %dma_start3A_64] : memref<80x128xi32, #tpu.memory_space<vmem>> -> memref<1x128xi32, #tpu.memory_space<vmem>>
    %dma_start3A_66 = tpu.memref_squeeze %dma_start3A_65 : memref<1x128xi32, #tpu.memory_space<vmem>> -> memref<128xi32, #tpu.memory_space<vmem>>
    %dma_start3A_67 = arith.constant 0 : i32
    %dma_start3A_68 = arith.constant 0 : i32
    %dma_start3A_69 = tpu.memref_slice %arg2[%dma_start3A_67, %dma_start3A_68] : memref<10240x32xf32, #tpu.memory_space<hbm>> -> memref<10240x32xf32, #tpu.memory_space<hbm>>
    tpu.enqueue_indirect_dma source(%dma_start3A_69 : memref<10240x32xf32, #tpu.memory_space<hbm>>) target(%arg14 : memref<128x32xf32, #tpu.memory_space<vmem>>) offsets(%dma_start3A_66 : memref<128xi32, #tpu.memory_space<vmem>>) semaphore(%arg19 : memref<!tpu.dma_semaphore, #tpu.memory_space<semaphore_mem>>)
    %dma_wait3A_70 = arith.constant 0 : i32
    %dma_wait3A_71 = arith.constant 0 : i32
    %dma_wait3A_72 = tpu.memref_slice %arg12[%dma_wait3A_70, %dma_wait3A_71] : memref<80x128xi32, #tpu.memory_space<vmem>> -> memref<1x128xi32, #tpu.memory_space<vmem>>
    %dma_wait3A_73 = tpu.memref_squeeze %dma_wait3A_72 : memref<1x128xi32, #tpu.memory_space<vmem>> -> memref<128xi32, #tpu.memory_space<vmem>>
    %dma_wait3A_74 = arith.constant 0 : i32
    %dma_wait3A_75 = arith.constant 0 : i32
    %dma_wait3A_76 = tpu.memref_slice %arg2[%dma_wait3A_74, %dma_wait3A_75] : memref<10240x32xf32, #tpu.memory_space<hbm>> -> memref<10240x32xf32, #tpu.memory_space<hbm>>
    tpu.wait_indirect_dma semaphore(%arg18 : memref<!tpu.dma_semaphore, #tpu.memory_space<semaphore_mem>>) src(%dma_wait3A_76 : memref<10240x32xf32, #tpu.memory_space<hbm>>) dst(%arg13 : memref<128x32xf32, #tpu.memory_space<vmem>>)
    %dma_start3A_77 = arith.constant 0 : i32
    %dma_start3A_78 = arith.constant 0 : i32
    %dma_start3A_79 = tpu.memref_slice %arg11[%dma_start3A_77, %dma_start3A_78] : memref<80x128xi32, #tpu.memory_space<vmem>> -> memref<1x128xi32, #tpu.memory_space<vmem>>
    %dma_start3A_80 = tpu.memref_squeeze %dma_start3A_79 : memref<1x128xi32, #tpu.memory_space<vmem>> -> memref<128xi32, #tpu.memory_space<vmem>>
    %dma_start3A_81 = arith.constant 0 : i32
    %dma_start3A_82 = arith.constant 0 : i32
    %dma_start3A_83 = tpu.memref_slice %arg9[%dma_start3A_81, %dma_start3A_82] : memref<10240x32xf32, #tpu.memory_space<vmem_shared>> -> memref<10240x32xf32, #tpu.memory_space<vmem_shared>>
    tpu.enqueue_indirect_dma source(%arg13 : memref<128x32xf32, #tpu.memory_space<vmem>>) target(%dma_start3A_83 : memref<10240x32xf32, #tpu.memory_space<vmem_shared>>) offsets(%dma_start3A_80 : memref<128xi32, #tpu.memory_space<vmem>>) semaphore(%arg22 : memref<!tpu.dma_semaphore, #tpu.memory_space<semaphore_mem>>) {add = true}
    %dma_start3A_84 = arith.constant 0 : i32
    %dma_start3A_85 = arith.constant 0 : i32
    %dma_start3A_86 = tpu.memref_slice %arg11[%dma_start3A_84, %dma_start3A_85] : memref<80x128xi32, #tpu.memory_space<vmem>> -> memref<1x128xi32, #tpu.memory_space<vmem>>
    %dma_start3A_87 = tpu.memref_squeeze %dma_start3A_86 : memref<1x128xi32, #tpu.memory_space<vmem>> -> memref<128xi32, #tpu.memory_space<vmem>>
    %dma_start3A_88 = arith.constant 0 : i32
    %dma_start3A_89 = tpu.memref_slice %arg10[%dma_start3A_88] : memref<10240xf32, #tpu.memory_space<vmem_shared>> -> memref<10240xf32, #tpu.memory_space<vmem_shared>>
    tpu.enqueue_indirect_dma source(%arg17 : memref<128xf32, #tpu.memory_space<vmem>>) target(%dma_start3A_89 : memref<10240xf32, #tpu.memory_space<vmem_shared>>) offsets(%dma_start3A_87 : memref<128xi32, #tpu.memory_space<vmem>>) semaphore(%arg26 : memref<!tpu.dma_semaphore, #tpu.memory_space<semaphore_mem>>) {add = true}
    %dma_start3A_90 = arith.constant 2 : i32
    %dma_start3A_91 = arith.constant 0 : i32
    %dma_start3A_92 = tpu.memref_slice %arg12[%dma_start3A_90, %dma_start3A_91] : memref<80x128xi32, #tpu.memory_space<vmem>> -> memref<1x128xi32, #tpu.memory_space<vmem>>
    %dma_start3A_93 = tpu.memref_squeeze %dma_start3A_92 : memref<1x128xi32, #tpu.memory_space<vmem>> -> memref<128xi32, #tpu.memory_space<vmem>>
    %dma_start3A_94 = arith.constant 0 : i32
    %dma_start3A_95 = arith.constant 0 : i32
    %dma_start3A_96 = tpu.memref_slice %arg2[%dma_start3A_94, %dma_start3A_95] : memref<10240x32xf32, #tpu.memory_space<hbm>> -> memref<10240x32xf32, #tpu.memory_space<hbm>>
    tpu.enqueue_indirect_dma source(%dma_start3A_96 : memref<10240x32xf32, #tpu.memory_space<hbm>>) target(%arg15 : memref<128x32xf32, #tpu.memory_space<vmem>>) offsets(%dma_start3A_93 : memref<128xi32, #tpu.memory_space<vmem>>) semaphore(%arg20 : memref<!tpu.dma_semaphore, #tpu.memory_space<semaphore_mem>>)
    %dma_wait3A_97 = arith.constant 1 : i32
    %dma_wait3A_98 = arith.constant 0 : i32
    %dma_wait3A_99 = tpu.memref_slice %arg12[%dma_wait3A_97, %dma_wait3A_98] : memref<80x128xi32, #tpu.memory_space<vmem>> -> memref<1x128xi32, #tpu.memory_space<vmem>>
    %dma_wait3A_100 = tpu.memref_squeeze %dma_wait3A_99 : memref<1x128xi32, #tpu.memory_space<vmem>> -> memref<128xi32, #tpu.memory_space<vmem>>
    %dma_wait3A_101 = arith.constant 0 : i32
    %dma_wait3A_102 = arith.constant 0 : i32
    %dma_wait3A_103 = tpu.memref_slice %arg2[%dma_wait3A_101, %dma_wait3A_102] : memref<10240x32xf32, #tpu.memory_space<hbm>> -> memref<10240x32xf32, #tpu.memory_space<hbm>>
    tpu.wait_indirect_dma semaphore(%arg19 : memref<!tpu.dma_semaphore, #tpu.memory_space<semaphore_mem>>) src(%dma_wait3A_103 : memref<10240x32xf32, #tpu.memory_space<hbm>>) dst(%arg14 : memref<128x32xf32, #tpu.memory_space<vmem>>)
    %dma_start3A_104 = arith.constant 1 : i32
    %dma_start3A_105 = arith.constant 0 : i32
    %dma_start3A_106 = tpu.memref_slice %arg11[%dma_start3A_104, %dma_start3A_105] : memref<80x128xi32, #tpu.memory_space<vmem>> -> memref<1x128xi32, #tpu.memory_space<vmem>>
    %dma_start3A_107 = tpu.memref_squeeze %dma_start3A_106 : memref<1x128xi32, #tpu.memory_space<vmem>> -> memref<128xi32, #tpu.memory_space<vmem>>
    %dma_start3A_108 = arith.constant 0 : i32
    %dma_start3A_109 = arith.constant 0 : i32
    %dma_start3A_110 = tpu.memref_slice %arg9[%dma_start3A_108, %dma_start3A_109] : memref<10240x32xf32, #tpu.memory_space<vmem_shared>> -> memref<10240x32xf32, #tpu.memory_space<vmem_shared>>
    tpu.enqueue_indirect_dma source(%arg14 : memref<128x32xf32, #tpu.memory_space<vmem>>) target(%dma_start3A_110 : memref<10240x32xf32, #tpu.memory_space<vmem_shared>>) offsets(%dma_start3A_107 : memref<128xi32, #tpu.memory_space<vmem>>) semaphore(%arg23 : memref<!tpu.dma_semaphore, #tpu.memory_space<semaphore_mem>>) {add = true}
    %dma_start3A_111 = arith.constant 1 : i32
    %dma_start3A_112 = arith.constant 0 : i32
    %dma_start3A_113 = tpu.memref_slice %arg11[%dma_start3A_111, %dma_start3A_112] : memref<80x128xi32, #tpu.memory_space<vmem>> -> memref<1x128xi32, #tpu.memory_space<vmem>>
    %dma_start3A_114 = tpu.memref_squeeze %dma_start3A_113 : memref<1x128xi32, #tpu.memory_space<vmem>> -> memref<128xi32, #tpu.memory_space<vmem>>
    %dma_start3A_115 = arith.constant 0 : i32
    %dma_start3A_116 = tpu.memref_slice %arg10[%dma_start3A_115] : memref<10240xf32, #tpu.memory_space<vmem_shared>> -> memref<10240xf32, #tpu.memory_space<vmem_shared>>
    tpu.enqueue_indirect_dma source(%arg17 : memref<128xf32, #tpu.memory_space<vmem>>) target(%dma_start3A_116 : memref<10240xf32, #tpu.memory_space<vmem_shared>>) offsets(%dma_start3A_114 : memref<128xi32, #tpu.memory_space<vmem>>) semaphore(%arg27 : memref<!tpu.dma_semaphore, #tpu.memory_space<semaphore_mem>>) {add = true}
    %dma_start3A_117 = arith.constant 3 : i32
    %dma_start3A_118 = arith.constant 0 : i32
    %dma_start3A_119 = tpu.memref_slice %arg12[%dma_start3A_117, %dma_start3A_118] : memref<80x128xi32, #tpu.memory_space<vmem>> -> memref<1x128xi32, #tpu.memory_space<vmem>>
    %dma_start3A_120 = tpu.memref_squeeze %dma_start3A_119 : memref<1x128xi32, #tpu.memory_space<vmem>> -> memref<128xi32, #tpu.memory_space<vmem>>
    %dma_start3A_121 = arith.constant 0 : i32
    %dma_start3A_122 = arith.constant 0 : i32
    %dma_start3A_123 = tpu.memref_slice %arg2[%dma_start3A_121, %dma_start3A_122] : memref<10240x32xf32, #tpu.memory_space<hbm>> -> memref<10240x32xf32, #tpu.memory_space<hbm>>
    tpu.enqueue_indirect_dma source(%dma_start3A_123 : memref<10240x32xf32, #tpu.memory_space<hbm>>) target(%arg16 : memref<128x32xf32, #tpu.memory_space<vmem>>) offsets(%dma_start3A_120 : memref<128xi32, #tpu.memory_space<vmem>>) semaphore(%arg21 : memref<!tpu.dma_semaphore, #tpu.memory_space<semaphore_mem>>)
    %scan3A_124 = arith.constant 0 : i32
    %scan3A_125 = arith.constant 0 : i32
    %scan3A_126 = arith.constant 19 : i32
    %scan3A_127 = arith.addi %scan3A_125, %scan3A_126 : i32
    %scan3A_128 = arith.constant 1 : i32
    scf.for %scan3A_237 = %scan3A_125 to %scan3A_127 step %scan3A_128  : i32 {
      %mul3A_238 = arith.constant 4 : i32
      %mul3A_239 = arith.muli %mul3A_238, %scan3A_237 : i32
      %add3A_240 = arith.constant 2 : i32
      %add3A_241 = arith.addi %mul3A_239, %add3A_240 : i32
      %add3A_242 = arith.constant 0 : i32
      %add3A_243 = arith.addi %add3A_241, %add3A_242 : i32
      %dma_wait3A_244 = arith.constant 0 : i32
      %dma_wait3A_245 = tpu.memref_slice %arg12[%add3A_243, %dma_wait3A_244] : memref<80x128xi32, #tpu.memory_space<vmem>> -> memref<1x128xi32, #tpu.memory_space<vmem>>
      %dma_wait3A_246 = tpu.memref_squeeze %dma_wait3A_245 : memref<1x128xi32, #tpu.memory_space<vmem>> -> memref<128xi32, #tpu.memory_space<vmem>>
      %dma_wait3A_247 = arith.constant 0 : i32
      %dma_wait3A_248 = arith.constant 0 : i32
      %dma_wait3A_249 = tpu.memref_slice %arg2[%dma_wait3A_247, %dma_wait3A_248] : memref<10240x32xf32, #tpu.memory_space<hbm>> -> memref<10240x32xf32, #tpu.memory_space<hbm>>
      tpu.wait_indirect_dma semaphore(%arg20 : memref<!tpu.dma_semaphore, #tpu.memory_space<semaphore_mem>>) src(%dma_wait3A_249 : memref<10240x32xf32, #tpu.memory_space<hbm>>) dst(%arg15 : memref<128x32xf32, #tpu.memory_space<vmem>>)
      %dma_start3A_250 = arith.constant 0 : i32
      %dma_start3A_251 = tpu.memref_slice %arg11[%add3A_243, %dma_start3A_250] : memref<80x128xi32, #tpu.memory_space<vmem>> -> memref<1x128xi32, #tpu.memory_space<vmem>>
      %dma_start3A_252 = tpu.memref_squeeze %dma_start3A_251 : memref<1x128xi32, #tpu.memory_space<vmem>> -> memref<128xi32, #tpu.memory_space<vmem>>
      %dma_start3A_253 = arith.constant 0 : i32
      %dma_start3A_254 = arith.constant 0 : i32
      %dma_start3A_255 = tpu.memref_slice %arg9[%dma_start3A_253, %dma_start3A_254] : memref<10240x32xf32, #tpu.memory_space<vmem_shared>> -> memref<10240x32xf32, #tpu.memory_space<vmem_shared>>
      tpu.enqueue_indirect_dma source(%arg15 : memref<128x32xf32, #tpu.memory_space<vmem>>) target(%dma_start3A_255 : memref<10240x32xf32, #tpu.memory_space<vmem_shared>>) offsets(%dma_start3A_252 : memref<128xi32, #tpu.memory_space<vmem>>) semaphore(%arg24 : memref<!tpu.dma_semaphore, #tpu.memory_space<semaphore_mem>>) {add = true}
      %dma_start3A_256 = arith.constant 0 : i32
      %dma_start3A_257 = tpu.memref_slice %arg11[%add3A_243, %dma_start3A_256] : memref<80x128xi32, #tpu.memory_space<vmem>> -> memref<1x128xi32, #tpu.memory_space<vmem>>
      %dma_start3A_258 = tpu.memref_squeeze %dma_start3A_257 : memref<1x128xi32, #tpu.memory_space<vmem>> -> memref<128xi32, #tpu.memory_space<vmem>>
      %dma_start3A_259 = arith.constant 0 : i32
      %dma_start3A_260 = tpu.memref_slice %arg10[%dma_start3A_259] : memref<10240xf32, #tpu.memory_space<vmem_shared>> -> memref<10240xf32, #tpu.memory_space<vmem_shared>>
      tpu.enqueue_indirect_dma source(%arg17 : memref<128xf32, #tpu.memory_space<vmem>>) target(%dma_start3A_260 : memref<10240xf32, #tpu.memory_space<vmem_shared>>) offsets(%dma_start3A_258 : memref<128xi32, #tpu.memory_space<vmem>>) semaphore(%arg28 : memref<!tpu.dma_semaphore, #tpu.memory_space<semaphore_mem>>) {add = true}
      %sub3A = arith.constant 2 : i32
      %sub3A_261 = arith.subi %add3A_243, %sub3A : i32
      %dma_wait3A_262 = arith.constant 0 : i32
      %dma_wait3A_263 = tpu.memref_slice %arg11[%sub3A_261, %dma_wait3A_262] : memref<80x128xi32, #tpu.memory_space<vmem>> -> memref<1x128xi32, #tpu.memory_space<vmem>>
      %dma_wait3A_264 = tpu.memref_squeeze %dma_wait3A_263 : memref<1x128xi32, #tpu.memory_space<vmem>> -> memref<128xi32, #tpu.memory_space<vmem>>
      %dma_wait3A_265 = arith.constant 0 : i32
      %dma_wait3A_266 = arith.constant 0 : i32
      %dma_wait3A_267 = tpu.memref_slice %arg9[%dma_wait3A_265, %dma_wait3A_266] : memref<10240x32xf32, #tpu.memory_space<vmem_shared>> -> memref<10240x32xf32, #tpu.memory_space<vmem_shared>>
      tpu.wait_indirect_dma semaphore(%arg22 : memref<!tpu.dma_semaphore, #tpu.memory_space<semaphore_mem>>) src(%arg13 : memref<128x32xf32, #tpu.memory_space<vmem>>) dst(%dma_wait3A_267 : memref<10240x32xf32, #tpu.memory_space<vmem_shared>>)
      %dma_wait3A_268 = arith.constant 0 : i32
      %dma_wait3A_269 = tpu.memref_slice %arg11[%sub3A_261, %dma_wait3A_268] : memref<80x128xi32, #tpu.memory_space<vmem>> -> memref<1x128xi32, #tpu.memory_space<vmem>>
      %dma_wait3A_270 = tpu.memref_squeeze %dma_wait3A_269 : memref<1x128xi32, #tpu.memory_space<vmem>> -> memref<128xi32, #tpu.memory_space<vmem>>
      %dma_wait3A_271 = arith.constant 0 : i32
      %dma_wait3A_272 = tpu.memref_slice %arg10[%dma_wait3A_271] : memref<10240xf32, #tpu.memory_space<vmem_shared>> -> memref<10240xf32, #tpu.memory_space<vmem_shared>>
      tpu.wait_indirect_dma semaphore(%arg26 : memref<!tpu.dma_semaphore, #tpu.memory_space<semaphore_mem>>) src(%arg17 : memref<128xf32, #tpu.memory_space<vmem>>) dst(%dma_wait3A_272 : memref<10240xf32, #tpu.memory_space<vmem_shared>>)
      %add3A_273 = arith.constant 2 : i32
      %add3A_274 = arith.addi %add3A_243, %add3A_273 : i32
      %dma_start3A_275 = arith.constant 0 : i32
      %dma_start3A_276 = tpu.memref_slice %arg12[%add3A_274, %dma_start3A_275] : memref<80x128xi32, #tpu.memory_space<vmem>> -> memref<1x128xi32, #tpu.memory_space<vmem>>
      %dma_start3A_277 = tpu.memref_squeeze %dma_start3A_276 : memref<1x128xi32, #tpu.memory_space<vmem>> -> memref<128xi32, #tpu.memory_space<vmem>>
      %dma_start3A_278 = arith.constant 0 : i32
      %dma_start3A_279 = arith.constant 0 : i32
      %dma_start3A_280 = tpu.memref_slice %arg2[%dma_start3A_278, %dma_start3A_279] : memref<10240x32xf32, #tpu.memory_space<hbm>> -> memref<10240x32xf32, #tpu.memory_space<hbm>>
      tpu.enqueue_indirect_dma source(%dma_start3A_280 : memref<10240x32xf32, #tpu.memory_space<hbm>>) target(%arg13 : memref<128x32xf32, #tpu.memory_space<vmem>>) offsets(%dma_start3A_277 : memref<128xi32, #tpu.memory_space<vmem>>) semaphore(%arg18 : memref<!tpu.dma_semaphore, #tpu.memory_space<semaphore_mem>>)
      %add3A_281 = arith.constant 1 : i32
      %add3A_282 = arith.addi %add3A_241, %add3A_281 : i32
      %dma_wait3A_283 = arith.constant 0 : i32
      %dma_wait3A_284 = tpu.memref_slice %arg12[%add3A_282, %dma_wait3A_283] : memref<80x128xi32, #tpu.memory_space<vmem>> -> memref<1x128xi32, #tpu.memory_space<vmem>>
      %dma_wait3A_285 = tpu.memref_squeeze %dma_wait3A_284 : memref<1x128xi32, #tpu.memory_space<vmem>> -> memref<128xi32, #tpu.memory_space<vmem>>
      %dma_wait3A_286 = arith.constant 0 : i32
      %dma_wait3A_287 = arith.constant 0 : i32
      %dma_wait3A_288 = tpu.memref_slice %arg2[%dma_wait3A_286, %dma_wait3A_287] : memref<10240x32xf32, #tpu.memory_space<hbm>> -> memref<10240x32xf32, #tpu.memory_space<hbm>>
      tpu.wait_indirect_dma semaphore(%arg21 : memref<!tpu.dma_semaphore, #tpu.memory_space<semaphore_mem>>) src(%dma_wait3A_288 : memref<10240x32xf32, #tpu.memory_space<hbm>>) dst(%arg16 : memref<128x32xf32, #tpu.memory_space<vmem>>)
      %dma_start3A_289 = arith.constant 0 : i32
      %dma_start3A_290 = tpu.memref_slice %arg11[%add3A_282, %dma_start3A_289] : memref<80x128xi32, #tpu.memory_space<vmem>> -> memref<1x128xi32, #tpu.memory_space<vmem>>
      %dma_start3A_291 = tpu.memref_squeeze %dma_start3A_290 : memref<1x128xi32, #tpu.memory_space<vmem>> -> memref<128xi32, #tpu.memory_space<vmem>>
      %dma_start3A_292 = arith.constant 0 : i32
      %dma_start3A_293 = arith.constant 0 : i32
      %dma_start3A_294 = tpu.memref_slice %arg9[%dma_start3A_292, %dma_start3A_293] : memref<10240x32xf32, #tpu.memory_space<vmem_shared>> -> memref<10240x32xf32, #tpu.memory_space<vmem_shared>>
      tpu.enqueue_indirect_dma source(%arg16 : memref<128x32xf32, #tpu.memory_space<vmem>>) target(%dma_start3A_294 : memref<10240x32xf32, #tpu.memory_space<vmem_shared>>) offsets(%dma_start3A_291 : memref<128xi32, #tpu.memory_space<vmem>>) semaphore(%arg25 : memref<!tpu.dma_semaphore, #tpu.memory_space<semaphore_mem>>) {add = true}
      %dma_start3A_295 = arith.constant 0 : i32
      %dma_start3A_296 = tpu.memref_slice %arg11[%add3A_282, %dma_start3A_295] : memref<80x128xi32, #tpu.memory_space<vmem>> -> memref<1x128xi32, #tpu.memory_space<vmem>>
      %dma_start3A_297 = tpu.memref_squeeze %dma_start3A_296 : memref<1x128xi32, #tpu.memory_space<vmem>> -> memref<128xi32, #tpu.memory_space<vmem>>
      %dma_start3A_298 = arith.constant 0 : i32
      %dma_start3A_299 = tpu.memref_slice %arg10[%dma_start3A_298] : memref<10240xf32, #tpu.memory_space<vmem_shared>> -> memref<10240xf32, #tpu.memory_space<vmem_shared>>
      tpu.enqueue_indirect_dma source(%arg17 : memref<128xf32, #tpu.memory_space<vmem>>) target(%dma_start3A_299 : memref<10240xf32, #tpu.memory_space<vmem_shared>>) offsets(%dma_start3A_297 : memref<128xi32, #tpu.memory_space<vmem>>) semaphore(%arg29 : memref<!tpu.dma_semaphore, #tpu.memory_space<semaphore_mem>>) {add = true}
      %sub3A_300 = arith.constant 2 : i32
      %sub3A_301 = arith.subi %add3A_282, %sub3A_300 : i32
      %dma_wait3A_302 = arith.constant 0 : i32
      %dma_wait3A_303 = tpu.memref_slice %arg11[%sub3A_301, %dma_wait3A_302] : memref<80x128xi32, #tpu.memory_space<vmem>> -> memref<1x128xi32, #tpu.memory_space<vmem>>
      %dma_wait3A_304 = tpu.memref_squeeze %dma_wait3A_303 : memref<1x128xi32, #tpu.memory_space<vmem>> -> memref<128xi32, #tpu.memory_space<vmem>>
      %dma_wait3A_305 = arith.constant 0 : i32
      %dma_wait3A_306 = arith.constant 0 : i32
      %dma_wait3A_307 = tpu.memref_slice %arg9[%dma_wait3A_305, %dma_wait3A_306] : memref<10240x32xf32, #tpu.memory_space<vmem_shared>> -> memref<10240x32xf32, #tpu.memory_space<vmem_shared>>
      tpu.wait_indirect_dma semaphore(%arg23 : memref<!tpu.dma_semaphore, #tpu.memory_space<semaphore_mem>>) src(%arg14 : memref<128x32xf32, #tpu.memory_space<vmem>>) dst(%dma_wait3A_307 : memref<10240x32xf32, #tpu.memory_space<vmem_shared>>)
      %dma_wait3A_308 = arith.constant 0 : i32
      %dma_wait3A_309 = tpu.memref_slice %arg11[%sub3A_301, %dma_wait3A_308] : memref<80x128xi32, #tpu.memory_space<vmem>> -> memref<1x128xi32, #tpu.memory_space<vmem>>
      %dma_wait3A_310 = tpu.memref_squeeze %dma_wait3A_309 : memref<1x128xi32, #tpu.memory_space<vmem>> -> memref<128xi32, #tpu.memory_space<vmem>>
      %dma_wait3A_311 = arith.constant 0 : i32
      %dma_wait3A_312 = tpu.memref_slice %arg10[%dma_wait3A_311] : memref<10240xf32, #tpu.memory_space<vmem_shared>> -> memref<10240xf32, #tpu.memory_space<vmem_shared>>
      tpu.wait_indirect_dma semaphore(%arg27 : memref<!tpu.dma_semaphore, #tpu.memory_space<semaphore_mem>>) src(%arg17 : memref<128xf32, #tpu.memory_space<vmem>>) dst(%dma_wait3A_312 : memref<10240xf32, #tpu.memory_space<vmem_shared>>)
      %add3A_313 = arith.constant 2 : i32
      %add3A_314 = arith.addi %add3A_282, %add3A_313 : i32
      %dma_start3A_315 = arith.constant 0 : i32
      %dma_start3A_316 = tpu.memref_slice %arg12[%add3A_314, %dma_start3A_315] : memref<80x128xi32, #tpu.memory_space<vmem>> -> memref<1x128xi32, #tpu.memory_space<vmem>>
      %dma_start3A_317 = tpu.memref_squeeze %dma_start3A_316 : memref<1x128xi32, #tpu.memory_space<vmem>> -> memref<128xi32, #tpu.memory_space<vmem>>
      %dma_start3A_318 = arith.constant 0 : i32
      %dma_start3A_319 = arith.constant 0 : i32
      %dma_start3A_320 = tpu.memref_slice %arg2[%dma_start3A_318, %dma_start3A_319] : memref<10240x32xf32, #tpu.memory_space<hbm>> -> memref<10240x32xf32, #tpu.memory_space<hbm>>
      tpu.enqueue_indirect_dma source(%dma_start3A_320 : memref<10240x32xf32, #tpu.memory_space<hbm>>) target(%arg14 : memref<128x32xf32, #tpu.memory_space<vmem>>) offsets(%dma_start3A_317 : memref<128xi32, #tpu.memory_space<vmem>>) semaphore(%arg19 : memref<!tpu.dma_semaphore, #tpu.memory_space<semaphore_mem>>)
      %add3A_321 = arith.constant 2 : i32
      %add3A_322 = arith.addi %add3A_241, %add3A_321 : i32
      %dma_wait3A_323 = arith.constant 0 : i32
      %dma_wait3A_324 = tpu.memref_slice %arg12[%add3A_322, %dma_wait3A_323] : memref<80x128xi32, #tpu.memory_space<vmem>> -> memref<1x128xi32, #tpu.memory_space<vmem>>
      %dma_wait3A_325 = tpu.memref_squeeze %dma_wait3A_324 : memref<1x128xi32, #tpu.memory_space<vmem>> -> memref<128xi32, #tpu.memory_space<vmem>>
      %dma_wait3A_326 = arith.constant 0 : i32
      %dma_wait3A_327 = arith.constant 0 : i32
      %dma_wait3A_328 = tpu.memref_slice %arg2[%dma_wait3A_326, %dma_wait3A_327] : memref<10240x32xf32, #tpu.memory_space<hbm>> -> memref<10240x32xf32, #tpu.memory_space<hbm>>
      tpu.wait_indirect_dma semaphore(%arg18 : memref<!tpu.dma_semaphore, #tpu.memory_space<semaphore_mem>>) src(%dma_wait3A_328 : memref<10240x32xf32, #tpu.memory_space<hbm>>) dst(%arg13 : memref<128x32xf32, #tpu.memory_space<vmem>>)
      %dma_start3A_329 = arith.constant 0 : i32
      %dma_start3A_330 = tpu.memref_slice %arg11[%add3A_322, %dma_start3A_329] : memref<80x128xi32, #tpu.memory_space<vmem>> -> memref<1x128xi32, #tpu.memory_space<vmem>>
      %dma_start3A_331 = tpu.memref_squeeze %dma_start3A_330 : memref<1x128xi32, #tpu.memory_space<vmem>> -> memref<128xi32, #tpu.memory_space<vmem>>
      %dma_start3A_332 = arith.constant 0 : i32
      %dma_start3A_333 = arith.constant 0 : i32
      %dma_start3A_334 = tpu.memref_slice %arg9[%dma_start3A_332, %dma_start3A_333] : memref<10240x32xf32, #tpu.memory_space<vmem_shared>> -> memref<10240x32xf32, #tpu.memory_space<vmem_shared>>
      tpu.enqueue_indirect_dma source(%arg13 : memref<128x32xf32, #tpu.memory_space<vmem>>) target(%dma_start3A_334 : memref<10240x32xf32, #tpu.memory_space<vmem_shared>>) offsets(%dma_start3A_331 : memref<128xi32, #tpu.memory_space<vmem>>) semaphore(%arg22 : memref<!tpu.dma_semaphore, #tpu.memory_space<semaphore_mem>>) {add = true}
      %dma_start3A_335 = arith.constant 0 : i32
      %dma_start3A_336 = tpu.memref_slice %arg11[%add3A_322, %dma_start3A_335] : memref<80x128xi32, #tpu.memory_space<vmem>> -> memref<1x128xi32, #tpu.memory_space<vmem>>
      %dma_start3A_337 = tpu.memref_squeeze %dma_start3A_336 : memref<1x128xi32, #tpu.memory_space<vmem>> -> memref<128xi32, #tpu.memory_space<vmem>>
      %dma_start3A_338 = arith.constant 0 : i32
      %dma_start3A_339 = tpu.memref_slice %arg10[%dma_start3A_338] : memref<10240xf32, #tpu.memory_space<vmem_shared>> -> memref<10240xf32, #tpu.memory_space<vmem_shared>>
      tpu.enqueue_indirect_dma source(%arg17 : memref<128xf32, #tpu.memory_space<vmem>>) target(%dma_start3A_339 : memref<10240xf32, #tpu.memory_space<vmem_shared>>) offsets(%dma_start3A_337 : memref<128xi32, #tpu.memory_space<vmem>>) semaphore(%arg26 : memref<!tpu.dma_semaphore, #tpu.memory_space<semaphore_mem>>) {add = true}
      %sub3A_340 = arith.constant 2 : i32
      %sub3A_341 = arith.subi %add3A_322, %sub3A_340 : i32
      %dma_wait3A_342 = arith.constant 0 : i32
      %dma_wait3A_343 = tpu.memref_slice %arg11[%sub3A_341, %dma_wait3A_342] : memref<80x128xi32, #tpu.memory_space<vmem>> -> memref<1x128xi32, #tpu.memory_space<vmem>>
      %dma_wait3A_344 = tpu.memref_squeeze %dma_wait3A_343 : memref<1x128xi32, #tpu.memory_space<vmem>> -> memref<128xi32, #tpu.memory_space<vmem>>
      %dma_wait3A_345 = arith.constant 0 : i32
      %dma_wait3A_346 = arith.constant 0 : i32
      %dma_wait3A_347 = tpu.memref_slice %arg9[%dma_wait3A_345, %dma_wait3A_346] : memref<10240x32xf32, #tpu.memory_space<vmem_shared>> -> memref<10240x32xf32, #tpu.memory_space<vmem_shared>>
      tpu.wait_indirect_dma semaphore(%arg24 : memref<!tpu.dma_semaphore, #tpu.memory_space<semaphore_mem>>) src(%arg15 : memref<128x32xf32, #tpu.memory_space<vmem>>) dst(%dma_wait3A_347 : memref<10240x32xf32, #tpu.memory_space<vmem_shared>>)
      %dma_wait3A_348 = arith.constant 0 : i32
      %dma_wait3A_349 = tpu.memref_slice %arg11[%sub3A_341, %dma_wait3A_348] : memref<80x128xi32, #tpu.memory_space<vmem>> -> memref<1x128xi32, #tpu.memory_space<vmem>>
      %dma_wait3A_350 = tpu.memref_squeeze %dma_wait3A_349 : memref<1x128xi32, #tpu.memory_space<vmem>> -> memref<128xi32, #tpu.memory_space<vmem>>
      %dma_wait3A_351 = arith.constant 0 : i32
      %dma_wait3A_352 = tpu.memref_slice %arg10[%dma_wait3A_351] : memref<10240xf32, #tpu.memory_space<vmem_shared>> -> memref<10240xf32, #tpu.memory_space<vmem_shared>>
      tpu.wait_indirect_dma semaphore(%arg28 : memref<!tpu.dma_semaphore, #tpu.memory_space<semaphore_mem>>) src(%arg17 : memref<128xf32, #tpu.memory_space<vmem>>) dst(%dma_wait3A_352 : memref<10240xf32, #tpu.memory_space<vmem_shared>>)
      %add3A_353 = arith.constant 2 : i32
      %add3A_354 = arith.addi %add3A_322, %add3A_353 : i32
      %dma_start3A_355 = arith.constant 0 : i32
      %dma_start3A_356 = tpu.memref_slice %arg12[%add3A_354, %dma_start3A_355] : memref<80x128xi32, #tpu.memory_space<vmem>> -> memref<1x128xi32, #tpu.memory_space<vmem>>
      %dma_start3A_357 = tpu.memref_squeeze %dma_start3A_356 : memref<1x128xi32, #tpu.memory_space<vmem>> -> memref<128xi32, #tpu.memory_space<vmem>>
      %dma_start3A_358 = arith.constant 0 : i32
      %dma_start3A_359 = arith.constant 0 : i32
      %dma_start3A_360 = tpu.memref_slice %arg2[%dma_start3A_358, %dma_start3A_359] : memref<10240x32xf32, #tpu.memory_space<hbm>> -> memref<10240x32xf32, #tpu.memory_space<hbm>>
      tpu.enqueue_indirect_dma source(%dma_start3A_360 : memref<10240x32xf32, #tpu.memory_space<hbm>>) target(%arg15 : memref<128x32xf32, #tpu.memory_space<vmem>>) offsets(%dma_start3A_357 : memref<128xi32, #tpu.memory_space<vmem>>) semaphore(%arg20 : memref<!tpu.dma_semaphore, #tpu.memory_space<semaphore_mem>>)
      %add3A_361 = arith.constant 3 : i32
      %add3A_362 = arith.addi %add3A_241, %add3A_361 : i32
      %dma_wait3A_363 = arith.constant 0 : i32
      %dma_wait3A_364 = tpu.memref_slice %arg12[%add3A_362, %dma_wait3A_363] : memref<80x128xi32, #tpu.memory_space<vmem>> -> memref<1x128xi32, #tpu.memory_space<vmem>>
      %dma_wait3A_365 = tpu.memref_squeeze %dma_wait3A_364 : memref<1x128xi32, #tpu.memory_space<vmem>> -> memref<128xi32, #tpu.memory_space<vmem>>
      %dma_wait3A_366 = arith.constant 0 : i32
      %dma_wait3A_367 = arith.constant 0 : i32
      %dma_wait3A_368 = tpu.memref_slice %arg2[%dma_wait3A_366, %dma_wait3A_367] : memref<10240x32xf32, #tpu.memory_space<hbm>> -> memref<10240x32xf32, #tpu.memory_space<hbm>>
      tpu.wait_indirect_dma semaphore(%arg19 : memref<!tpu.dma_semaphore, #tpu.memory_space<semaphore_mem>>) src(%dma_wait3A_368 : memref<10240x32xf32, #tpu.memory_space<hbm>>) dst(%arg14 : memref<128x32xf32, #tpu.memory_space<vmem>>)
      %dma_start3A_369 = arith.constant 0 : i32
      %dma_start3A_370 = tpu.memref_slice %arg11[%add3A_362, %dma_start3A_369] : memref<80x128xi32, #tpu.memory_space<vmem>> -> memref<1x128xi32, #tpu.memory_space<vmem>>
      %dma_start3A_371 = tpu.memref_squeeze %dma_start3A_370 : memref<1x128xi32, #tpu.memory_space<vmem>> -> memref<128xi32, #tpu.memory_space<vmem>>
      %dma_start3A_372 = arith.constant 0 : i32
      %dma_start3A_373 = arith.constant 0 : i32
      %dma_start3A_374 = tpu.memref_slice %arg9[%dma_start3A_372, %dma_start3A_373] : memref<10240x32xf32, #tpu.memory_space<vmem_shared>> -> memref<10240x32xf32, #tpu.memory_space<vmem_shared>>
      tpu.enqueue_indirect_dma source(%arg14 : memref<128x32xf32, #tpu.memory_space<vmem>>) target(%dma_start3A_374 : memref<10240x32xf32, #tpu.memory_space<vmem_shared>>) offsets(%dma_start3A_371 : memref<128xi32, #tpu.memory_space<vmem>>) semaphore(%arg23 : memref<!tpu.dma_semaphore, #tpu.memory_space<semaphore_mem>>) {add = true}
      %dma_start3A_375 = arith.constant 0 : i32
      %dma_start3A_376 = tpu.memref_slice %arg11[%add3A_362, %dma_start3A_375] : memref<80x128xi32, #tpu.memory_space<vmem>> -> memref<1x128xi32, #tpu.memory_space<vmem>>
      %dma_start3A_377 = tpu.memref_squeeze %dma_start3A_376 : memref<1x128xi32, #tpu.memory_space<vmem>> -> memref<128xi32, #tpu.memory_space<vmem>>
      %dma_start3A_378 = arith.constant 0 : i32
      %dma_start3A_379 = tpu.memref_slice %arg10[%dma_start3A_378] : memref<10240xf32, #tpu.memory_space<vmem_shared>> -> memref<10240xf32, #tpu.memory_space<vmem_shared>>
      tpu.enqueue_indirect_dma source(%arg17 : memref<128xf32, #tpu.memory_space<vmem>>) target(%dma_start3A_379 : memref<10240xf32, #tpu.memory_space<vmem_shared>>) offsets(%dma_start3A_377 : memref<128xi32, #tpu.memory_space<vmem>>) semaphore(%arg27 : memref<!tpu.dma_semaphore, #tpu.memory_space<semaphore_mem>>) {add = true}
      %sub3A_380 = arith.constant 2 : i32
      %sub3A_381 = arith.subi %add3A_362, %sub3A_380 : i32
      %dma_wait3A_382 = arith.constant 0 : i32
      %dma_wait3A_383 = tpu.memref_slice %arg11[%sub3A_381, %dma_wait3A_382] : memref<80x128xi32, #tpu.memory_space<vmem>> -> memref<1x128xi32, #tpu.memory_space<vmem>>
      %dma_wait3A_384 = tpu.memref_squeeze %dma_wait3A_383 : memref<1x128xi32, #tpu.memory_space<vmem>> -> memref<128xi32, #tpu.memory_space<vmem>>
      %dma_wait3A_385 = arith.constant 0 : i32
      %dma_wait3A_386 = arith.constant 0 : i32
      %dma_wait3A_387 = tpu.memref_slice %arg9[%dma_wait3A_385, %dma_wait3A_386] : memref<10240x32xf32, #tpu.memory_space<vmem_shared>> -> memref<10240x32xf32, #tpu.memory_space<vmem_shared>>
      tpu.wait_indirect_dma semaphore(%arg25 : memref<!tpu.dma_semaphore, #tpu.memory_space<semaphore_mem>>) src(%arg16 : memref<128x32xf32, #tpu.memory_space<vmem>>) dst(%dma_wait3A_387 : memref<10240x32xf32, #tpu.memory_space<vmem_shared>>)
      %dma_wait3A_388 = arith.constant 0 : i32
      %dma_wait3A_389 = tpu.memref_slice %arg11[%sub3A_381, %dma_wait3A_388] : memref<80x128xi32, #tpu.memory_space<vmem>> -> memref<1x128xi32, #tpu.memory_space<vmem>>
      %dma_wait3A_390 = tpu.memref_squeeze %dma_wait3A_389 : memref<1x128xi32, #tpu.memory_space<vmem>> -> memref<128xi32, #tpu.memory_space<vmem>>
      %dma_wait3A_391 = arith.constant 0 : i32
      %dma_wait3A_392 = tpu.memref_slice %arg10[%dma_wait3A_391] : memref<10240xf32, #tpu.memory_space<vmem_shared>> -> memref<10240xf32, #tpu.memory_space<vmem_shared>>
      tpu.wait_indirect_dma semaphore(%arg29 : memref<!tpu.dma_semaphore, #tpu.memory_space<semaphore_mem>>) src(%arg17 : memref<128xf32, #tpu.memory_space<vmem>>) dst(%dma_wait3A_392 : memref<10240xf32, #tpu.memory_space<vmem_shared>>)
      %add3A_393 = arith.constant 2 : i32
      %add3A_394 = arith.addi %add3A_362, %add3A_393 : i32
      %dma_start3A_395 = arith.constant 0 : i32
      %dma_start3A_396 = tpu.memref_slice %arg12[%add3A_394, %dma_start3A_395] : memref<80x128xi32, #tpu.memory_space<vmem>> -> memref<1x128xi32, #tpu.memory_space<vmem>>
      %dma_start3A_397 = tpu.memref_squeeze %dma_start3A_396 : memref<1x128xi32, #tpu.memory_space<vmem>> -> memref<128xi32, #tpu.memory_space<vmem>>
      %dma_start3A_398 = arith.constant 0 : i32
      %dma_start3A_399 = arith.constant 0 : i32
      %dma_start3A_400 = tpu.memref_slice %arg2[%dma_start3A_398, %dma_start3A_399] : memref<10240x32xf32, #tpu.memory_space<hbm>> -> memref<10240x32xf32, #tpu.memory_space<hbm>>
      tpu.enqueue_indirect_dma source(%dma_start3A_400 : memref<10240x32xf32, #tpu.memory_space<hbm>>) target(%arg16 : memref<128x32xf32, #tpu.memory_space<vmem>>) offsets(%dma_start3A_397 : memref<128xi32, #tpu.memory_space<vmem>>) semaphore(%arg21 : memref<!tpu.dma_semaphore, #tpu.memory_space<semaphore_mem>>)
    }
    %scan3A_129 = arith.constant 19 : i32
    %dma_wait3A_130 = arith.constant 78 : i32
    %dma_wait3A_131 = arith.constant 0 : i32
    %dma_wait3A_132 = tpu.memref_slice %arg12[%dma_wait3A_130, %dma_wait3A_131] : memref<80x128xi32, #tpu.memory_space<vmem>> -> memref<1x128xi32, #tpu.memory_space<vmem>>
    %dma_wait3A_133 = tpu.memref_squeeze %dma_wait3A_132 : memref<1x128xi32, #tpu.memory_space<vmem>> -> memref<128xi32, #tpu.memory_space<vmem>>
    %dma_wait3A_134 = arith.constant 0 : i32
    %dma_wait3A_135 = arith.constant 0 : i32
    %dma_wait3A_136 = tpu.memref_slice %arg2[%dma_wait3A_134, %dma_wait3A_135] : memref<10240x32xf32, #tpu.memory_space<hbm>> -> memref<10240x32xf32, #tpu.memory_space<hbm>>
    tpu.wait_indirect_dma semaphore(%arg20 : memref<!tpu.dma_semaphore, #tpu.memory_space<semaphore_mem>>) src(%dma_wait3A_136 : memref<10240x32xf32, #tpu.memory_space<hbm>>) dst(%arg15 : memref<128x32xf32, #tpu.memory_space<vmem>>)
    %dma_start3A_137 = arith.constant 78 : i32
    %dma_start3A_138 = arith.constant 0 : i32
    %dma_start3A_139 = tpu.memref_slice %arg11[%dma_start3A_137, %dma_start3A_138] : memref<80x128xi32, #tpu.memory_space<vmem>> -> memref<1x128xi32, #tpu.memory_space<vmem>>
    %dma_start3A_140 = tpu.memref_squeeze %dma_start3A_139 : memref<1x128xi32, #tpu.memory_space<vmem>> -> memref<128xi32, #tpu.memory_space<vmem>>
    %dma_start3A_141 = arith.constant 0 : i32
    %dma_start3A_142 = arith.constant 0 : i32
    %dma_start3A_143 = tpu.memref_slice %arg9[%dma_start3A_141, %dma_start3A_142] : memref<10240x32xf32, #tpu.memory_space<vmem_shared>> -> memref<10240x32xf32, #tpu.memory_space<vmem_shared>>
    tpu.enqueue_indirect_dma source(%arg15 : memref<128x32xf32, #tpu.memory_space<vmem>>) target(%dma_start3A_143 : memref<10240x32xf32, #tpu.memory_space<vmem_shared>>) offsets(%dma_start3A_140 : memref<128xi32, #tpu.memory_space<vmem>>) semaphore(%arg24 : memref<!tpu.dma_semaphore, #tpu.memory_space<semaphore_mem>>) {add = true}
    %dma_start3A_144 = arith.constant 78 : i32
    %dma_start3A_145 = arith.constant 0 : i32
    %dma_start3A_146 = tpu.memref_slice %arg11[%dma_start3A_144, %dma_start3A_145] : memref<80x128xi32, #tpu.memory_space<vmem>> -> memref<1x128xi32, #tpu.memory_space<vmem>>
    %dma_start3A_147 = tpu.memref_squeeze %dma_start3A_146 : memref<1x128xi32, #tpu.memory_space<vmem>> -> memref<128xi32, #tpu.memory_space<vmem>>
    %dma_start3A_148 = arith.constant 0 : i32
    %dma_start3A_149 = tpu.memref_slice %arg10[%dma_start3A_148] : memref<10240xf32, #tpu.memory_space<vmem_shared>> -> memref<10240xf32, #tpu.memory_space<vmem_shared>>
    tpu.enqueue_indirect_dma source(%arg17 : memref<128xf32, #tpu.memory_space<vmem>>) target(%dma_start3A_149 : memref<10240xf32, #tpu.memory_space<vmem_shared>>) offsets(%dma_start3A_147 : memref<128xi32, #tpu.memory_space<vmem>>) semaphore(%arg28 : memref<!tpu.dma_semaphore, #tpu.memory_space<semaphore_mem>>) {add = true}
    %dma_wait3A_150 = arith.constant 76 : i32
    %dma_wait3A_151 = arith.constant 0 : i32
    %dma_wait3A_152 = tpu.memref_slice %arg11[%dma_wait3A_150, %dma_wait3A_151] : memref<80x128xi32, #tpu.memory_space<vmem>> -> memref<1x128xi32, #tpu.memory_space<vmem>>
    %dma_wait3A_153 = tpu.memref_squeeze %dma_wait3A_152 : memref<1x128xi32, #tpu.memory_space<vmem>> -> memref<128xi32, #tpu.memory_space<vmem>>
    %dma_wait3A_154 = arith.constant 0 : i32
    %dma_wait3A_155 = arith.constant 0 : i32
    %dma_wait3A_156 = tpu.memref_slice %arg9[%dma_wait3A_154, %dma_wait3A_155] : memref<10240x32xf32, #tpu.memory_space<vmem_shared>> -> memref<10240x32xf32, #tpu.memory_space<vmem_shared>>
    tpu.wait_indirect_dma semaphore(%arg22 : memref<!tpu.dma_semaphore, #tpu.memory_space<semaphore_mem>>) src(%arg13 : memref<128x32xf32, #tpu.memory_space<vmem>>) dst(%dma_wait3A_156 : memref<10240x32xf32, #tpu.memory_space<vmem_shared>>)
    %dma_wait3A_157 = arith.constant 76 : i32
    %dma_wait3A_158 = arith.constant 0 : i32
    %dma_wait3A_159 = tpu.memref_slice %arg11[%dma_wait3A_157, %dma_wait3A_158] : memref<80x128xi32, #tpu.memory_space<vmem>> -> memref<1x128xi32, #tpu.memory_space<vmem>>
    %dma_wait3A_160 = tpu.memref_squeeze %dma_wait3A_159 : memref<1x128xi32, #tpu.memory_space<vmem>> -> memref<128xi32, #tpu.memory_space<vmem>>
    %dma_wait3A_161 = arith.constant 0 : i32
    %dma_wait3A_162 = tpu.memref_slice %arg10[%dma_wait3A_161] : memref<10240xf32, #tpu.memory_space<vmem_shared>> -> memref<10240xf32, #tpu.memory_space<vmem_shared>>
    tpu.wait_indirect_dma semaphore(%arg26 : memref<!tpu.dma_semaphore, #tpu.memory_space<semaphore_mem>>) src(%arg17 : memref<128xf32, #tpu.memory_space<vmem>>) dst(%dma_wait3A_162 : memref<10240xf32, #tpu.memory_space<vmem_shared>>)
    %dma_wait3A_163 = arith.constant 79 : i32
    %dma_wait3A_164 = arith.constant 0 : i32
    %dma_wait3A_165 = tpu.memref_slice %arg12[%dma_wait3A_163, %dma_wait3A_164] : memref<80x128xi32, #tpu.memory_space<vmem>> -> memref<1x128xi32, #tpu.memory_space<vmem>>
    %dma_wait3A_166 = tpu.memref_squeeze %dma_wait3A_165 : memref<1x128xi32, #tpu.memory_space<vmem>> -> memref<128xi32, #tpu.memory_space<vmem>>
    %dma_wait3A_167 = arith.constant 0 : i32
    %dma_wait3A_168 = arith.constant 0 : i32
    %dma_wait3A_169 = tpu.memref_slice %arg2[%dma_wait3A_167, %dma_wait3A_168] : memref<10240x32xf32, #tpu.memory_space<hbm>> -> memref<10240x32xf32, #tpu.memory_space<hbm>>
    tpu.wait_indirect_dma semaphore(%arg21 : memref<!tpu.dma_semaphore, #tpu.memory_space<semaphore_mem>>) src(%dma_wait3A_169 : memref<10240x32xf32, #tpu.memory_space<hbm>>) dst(%arg16 : memref<128x32xf32, #tpu.memory_space<vmem>>)
    %dma_start3A_170 = arith.constant 79 : i32
    %dma_start3A_171 = arith.constant 0 : i32
    %dma_start3A_172 = tpu.memref_slice %arg11[%dma_start3A_170, %dma_start3A_171] : memref<80x128xi32, #tpu.memory_space<vmem>> -> memref<1x128xi32, #tpu.memory_space<vmem>>
    %dma_start3A_173 = tpu.memref_squeeze %dma_start3A_172 : memref<1x128xi32, #tpu.memory_space<vmem>> -> memref<128xi32, #tpu.memory_space<vmem>>
    %dma_start3A_174 = arith.constant 0 : i32
    %dma_start3A_175 = arith.constant 0 : i32
    %dma_start3A_176 = tpu.memref_slice %arg9[%dma_start3A_174, %dma_start3A_175] : memref<10240x32xf32, #tpu.memory_space<vmem_shared>> -> memref<10240x32xf32, #tpu.memory_space<vmem_shared>>
    tpu.enqueue_indirect_dma source(%arg16 : memref<128x32xf32, #tpu.memory_space<vmem>>) target(%dma_start3A_176 : memref<10240x32xf32, #tpu.memory_space<vmem_shared>>) offsets(%dma_start3A_173 : memref<128xi32, #tpu.memory_space<vmem>>) semaphore(%arg25 : memref<!tpu.dma_semaphore, #tpu.memory_space<semaphore_mem>>) {add = true}
    %dma_start3A_177 = arith.constant 79 : i32
    %dma_start3A_178 = arith.constant 0 : i32
    %dma_start3A_179 = tpu.memref_slice %arg11[%dma_start3A_177, %dma_start3A_178] : memref<80x128xi32, #tpu.memory_space<vmem>> -> memref<1x128xi32, #tpu.memory_space<vmem>>
    %dma_start3A_180 = tpu.memref_squeeze %dma_start3A_179 : memref<1x128xi32, #tpu.memory_space<vmem>> -> memref<128xi32, #tpu.memory_space<vmem>>
    %dma_start3A_181 = arith.constant 0 : i32
    %dma_start3A_182 = tpu.memref_slice %arg10[%dma_start3A_181] : memref<10240xf32, #tpu.memory_space<vmem_shared>> -> memref<10240xf32, #tpu.memory_space<vmem_shared>>
    tpu.enqueue_indirect_dma source(%arg17 : memref<128xf32, #tpu.memory_space<vmem>>) target(%dma_start3A_182 : memref<10240xf32, #tpu.memory_space<vmem_shared>>) offsets(%dma_start3A_180 : memref<128xi32, #tpu.memory_space<vmem>>) semaphore(%arg29 : memref<!tpu.dma_semaphore, #tpu.memory_space<semaphore_mem>>) {add = true}
    %dma_wait3A_183 = arith.constant 77 : i32
    %dma_wait3A_184 = arith.constant 0 : i32
    %dma_wait3A_185 = tpu.memref_slice %arg11[%dma_wait3A_183, %dma_wait3A_184] : memref<80x128xi32, #tpu.memory_space<vmem>> -> memref<1x128xi32, #tpu.memory_space<vmem>>
    %dma_wait3A_186 = tpu.memref_squeeze %dma_wait3A_185 : memref<1x128xi32, #tpu.memory_space<vmem>> -> memref<128xi32, #tpu.memory_space<vmem>>
    %dma_wait3A_187 = arith.constant 0 : i32
    %dma_wait3A_188 = arith.constant 0 : i32
    %dma_wait3A_189 = tpu.memref_slice %arg9[%dma_wait3A_187, %dma_wait3A_188] : memref<10240x32xf32, #tpu.memory_space<vmem_shared>> -> memref<10240x32xf32, #tpu.memory_space<vmem_shared>>
    tpu.wait_indirect_dma semaphore(%arg23 : memref<!tpu.dma_semaphore, #tpu.memory_space<semaphore_mem>>) src(%arg14 : memref<128x32xf32, #tpu.memory_space<vmem>>) dst(%dma_wait3A_189 : memref<10240x32xf32, #tpu.memory_space<vmem_shared>>)
    %dma_wait3A_190 = arith.constant 77 : i32
    %dma_wait3A_191 = arith.constant 0 : i32
    %dma_wait3A_192 = tpu.memref_slice %arg11[%dma_wait3A_190, %dma_wait3A_191] : memref<80x128xi32, #tpu.memory_space<vmem>> -> memref<1x128xi32, #tpu.memory_space<vmem>>
    %dma_wait3A_193 = tpu.memref_squeeze %dma_wait3A_192 : memref<1x128xi32, #tpu.memory_space<vmem>> -> memref<128xi32, #tpu.memory_space<vmem>>
    %dma_wait3A_194 = arith.constant 0 : i32
    %dma_wait3A_195 = tpu.memref_slice %arg10[%dma_wait3A_194] : memref<10240xf32, #tpu.memory_space<vmem_shared>> -> memref<10240xf32, #tpu.memory_space<vmem_shared>>
    tpu.wait_indirect_dma semaphore(%arg27 : memref<!tpu.dma_semaphore, #tpu.memory_space<semaphore_mem>>) src(%arg17 : memref<128xf32, #tpu.memory_space<vmem>>) dst(%dma_wait3A_195 : memref<10240xf32, #tpu.memory_space<vmem_shared>>)
    %dma_wait3A_196 = arith.constant 78 : i32
    %dma_wait3A_197 = arith.constant 0 : i32
    %dma_wait3A_198 = tpu.memref_slice %arg11[%dma_wait3A_196, %dma_wait3A_197] : memref<80x128xi32, #tpu.memory_space<vmem>> -> memref<1x128xi32, #tpu.memory_space<vmem>>
    %dma_wait3A_199 = tpu.memref_squeeze %dma_wait3A_198 : memref<1x128xi32, #tpu.memory_space<vmem>> -> memref<128xi32, #tpu.memory_space<vmem>>
    %dma_wait3A_200 = arith.constant 0 : i32
    %dma_wait3A_201 = arith.constant 0 : i32
    %dma_wait3A_202 = tpu.memref_slice %arg9[%dma_wait3A_200, %dma_wait3A_201] : memref<10240x32xf32, #tpu.memory_space<vmem_shared>> -> memref<10240x32xf32, #tpu.memory_space<vmem_shared>>
    tpu.wait_indirect_dma semaphore(%arg24 : memref<!tpu.dma_semaphore, #tpu.memory_space<semaphore_mem>>) src(%arg15 : memref<128x32xf32, #tpu.memory_space<vmem>>) dst(%dma_wait3A_202 : memref<10240x32xf32, #tpu.memory_space<vmem_shared>>)
    %dma_wait3A_203 = arith.constant 78 : i32
    %dma_wait3A_204 = arith.constant 0 : i32
    %dma_wait3A_205 = tpu.memref_slice %arg11[%dma_wait3A_203, %dma_wait3A_204] : memref<80x128xi32, #tpu.memory_space<vmem>> -> memref<1x128xi32, #tpu.memory_space<vmem>>
    %dma_wait3A_206 = tpu.memref_squeeze %dma_wait3A_205 : memref<1x128xi32, #tpu.memory_space<vmem>> -> memref<128xi32, #tpu.memory_space<vmem>>
    %dma_wait3A_207 = arith.constant 0 : i32
    %dma_wait3A_208 = tpu.memref_slice %arg10[%dma_wait3A_207] : memref<10240xf32, #tpu.memory_space<vmem_shared>> -> memref<10240xf32, #tpu.memory_space<vmem_shared>>
    tpu.wait_indirect_dma semaphore(%arg28 : memref<!tpu.dma_semaphore, #tpu.memory_space<semaphore_mem>>) src(%arg17 : memref<128xf32, #tpu.memory_space<vmem>>) dst(%dma_wait3A_208 : memref<10240xf32, #tpu.memory_space<vmem_shared>>)
    %dma_wait3A_209 = arith.constant 79 : i32
    %dma_wait3A_210 = arith.constant 0 : i32
    %dma_wait3A_211 = tpu.memref_slice %arg11[%dma_wait3A_209, %dma_wait3A_210] : memref<80x128xi32, #tpu.memory_space<vmem>> -> memref<1x128xi32, #tpu.memory_space<vmem>>
    %dma_wait3A_212 = tpu.memref_squeeze %dma_wait3A_211 : memref<1x128xi32, #tpu.memory_space<vmem>> -> memref<128xi32, #tpu.memory_space<vmem>>
    %dma_wait3A_213 = arith.constant 0 : i32
    %dma_wait3A_214 = arith.constant 0 : i32
    %dma_wait3A_215 = tpu.memref_slice %arg9[%dma_wait3A_213, %dma_wait3A_214] : memref<10240x32xf32, #tpu.memory_space<vmem_shared>> -> memref<10240x32xf32, #tpu.memory_space<vmem_shared>>
    tpu.wait_indirect_dma semaphore(%arg25 : memref<!tpu.dma_semaphore, #tpu.memory_space<semaphore_mem>>) src(%arg16 : memref<128x32xf32, #tpu.memory_space<vmem>>) dst(%dma_wait3A_215 : memref<10240x32xf32, #tpu.memory_space<vmem_shared>>)
    %dma_wait3A_216 = arith.constant 79 : i32
    %dma_wait3A_217 = arith.constant 0 : i32
    %dma_wait3A_218 = tpu.memref_slice %arg11[%dma_wait3A_216, %dma_wait3A_217] : memref<80x128xi32, #tpu.memory_space<vmem>> -> memref<1x128xi32, #tpu.memory_space<vmem>>
    %dma_wait3A_219 = tpu.memref_squeeze %dma_wait3A_218 : memref<1x128xi32, #tpu.memory_space<vmem>> -> memref<128xi32, #tpu.memory_space<vmem>>
    %dma_wait3A_220 = arith.constant 0 : i32
    %dma_wait3A_221 = tpu.memref_slice %arg10[%dma_wait3A_220] : memref<10240xf32, #tpu.memory_space<vmem_shared>> -> memref<10240xf32, #tpu.memory_space<vmem_shared>>
    tpu.wait_indirect_dma semaphore(%arg29 : memref<!tpu.dma_semaphore, #tpu.memory_space<semaphore_mem>>) src(%arg17 : memref<128xf32, #tpu.memory_space<vmem>>) dst(%dma_wait3A_221 : memref<10240xf32, #tpu.memory_space<vmem_shared>>)
    %barrier3A_222 = arith.constant 0 : index
    tpu.barrier barrier_id(%barrier3A_222)
    %mul3A_223 = arith.constant 640 : i32
    %mul3A_224 = arith.muli %arg1, %mul3A_223 : i32
    %mul3A_225 = arith.constant 10240 : i32
    %mul3A_226 = arith.muli %arg0, %mul3A_225 : i32
    %mul3A_227 = arith.constant 640 : i32
    %mul3A_228 = arith.muli %arg1, %mul3A_227 : i32
    %add3A_229 = arith.addi %mul3A_226, %mul3A_228 : i32
    "tpu.region"() ({
      %run_scoped3A = tpu.sem_alloc : memref<!tpu.dma_semaphore, #tpu.memory_space<semaphore_mem>>
      %dma_start3A_237 = arith.constant 0 : i32
      %dma_start3A_238 = tpu.memref_slice %arg7[%add3A_229, %dma_start3A_237] : memref<20480x32xf32, #tpu.memory_space<hbm>> -> memref<640x32xf32, #tpu.memory_space<hbm>>
      %dma_start3A_239 = arith.constant 0 : i32
      %dma_start3A_240 = tpu.memref_slice %arg9[%mul3A_224, %dma_start3A_239] : memref<10240x32xf32, #tpu.memory_space<vmem_shared>> -> memref<640x32xf32, #tpu.memory_space<vmem_shared>>
      tpu.enqueue_dma source(%dma_start3A_240 : memref<640x32xf32, #tpu.memory_space<vmem_shared>>) target(%dma_start3A_238 : memref<640x32xf32, #tpu.memory_space<hbm>>) target_semaphore(%run_scoped3A : memref<!tpu.dma_semaphore, #tpu.memory_space<semaphore_mem>>)
      %dma_wait3A_241 = arith.constant 0 : i32
      %dma_wait3A_242 = tpu.memref_slice %arg7[%add3A_229, %dma_wait3A_241] : memref<20480x32xf32, #tpu.memory_space<hbm>> -> memref<640x32xf32, #tpu.memory_space<hbm>>
      %dma_wait3A_243 = arith.constant 0 : i32
      %dma_wait3A_244 = tpu.memref_slice %arg9[%mul3A_224, %dma_wait3A_243] : memref<10240x32xf32, #tpu.memory_space<vmem_shared>> -> memref<640x32xf32, #tpu.memory_space<vmem_shared>>
      tpu.wait_dma2 semaphore(%run_scoped3A : memref<!tpu.dma_semaphore, #tpu.memory_space<semaphore_mem>>) src(%dma_wait3A_244 : memref<640x32xf32, #tpu.memory_space<vmem_shared>>) dst(%dma_wait3A_242 : memref<640x32xf32, #tpu.memory_space<hbm>>)
      tpu.yield
    }) : () -> ()
    %mul3A_230 = arith.constant 640 : i32
    %mul3A_231 = arith.muli %arg1, %mul3A_230 : i32
    %mul3A_232 = arith.constant 10240 : i32
    %mul3A_233 = arith.muli %arg0, %mul3A_232 : i32
    %mul3A_234 = arith.constant 640 : i32
    %mul3A_235 = arith.muli %arg1, %mul3A_234 : i32
    %add3A_236 = arith.addi %mul3A_233, %mul3A_235 : i32
    "tpu.region"() ({
      %run_scoped3A = tpu.sem_alloc : memref<!tpu.dma_semaphore, #tpu.memory_space<semaphore_mem>>
      %dma_start3A_237 = tpu.memref_slice %arg8[%add3A_236] : memref<20480xf32, #tpu.memory_space<hbm>> -> memref<640xf32, #tpu.memory_space<hbm>>
      %dma_start3A_238 = tpu.memref_slice %arg10[%mul3A_231] : memref<10240xf32, #tpu.memory_space<vmem_shared>> -> memref<640xf32, #tpu.memory_space<vmem_shared>>
      tpu.enqueue_dma source(%dma_start3A_238 : memref<640xf32, #tpu.memory_space<vmem_shared>>) target(%dma_start3A_237 : memref<640xf32, #tpu.memory_space<hbm>>) target_semaphore(%run_scoped3A : memref<!tpu.dma_semaphore, #tpu.memory_space<semaphore_mem>>)
      %dma_wait3A_239 = tpu.memref_slice %arg8[%add3A_236] : memref<20480xf32, #tpu.memory_space<hbm>> -> memref<640xf32, #tpu.memory_space<hbm>>
      %dma_wait3A_240 = tpu.memref_slice %arg10[%mul3A_231] : memref<10240xf32, #tpu.memory_space<vmem_shared>> -> memref<640xf32, #tpu.memory_space<vmem_shared>>
      tpu.wait_dma2 semaphore(%run_scoped3A : memref<!tpu.dma_semaphore, #tpu.memory_space<semaphore_mem>>) src(%dma_wait3A_240 : memref<640xf32, #tpu.memory_space<vmem_shared>>) dst(%dma_wait3A_239 : memref<640xf32, #tpu.memory_space<hbm>>)
      tpu.yield
    }) : () -> ()
    return
  }
}

#map = affine_map<(d0, d1) -> (0)>
#map1 = affine_map<(d0, d1) -> (0, 0)>
module attributes {stable_mosaic.version = 14 : i64} {
  func.func @_sc_agg2_body(%arg0: i32, %arg1: i32, %arg2: memref<10240xf32, #tpu.memory_space<hbm>>, %arg3: memref<10240xf32, #tpu.memory_space<hbm>>, %arg4: memref<10240xf32, #tpu.memory_space<hbm>>, %arg5: memref<2560x128xi32, #tpu.memory_space<hbm>>, %arg6: memref<2560x128xi32, #tpu.memory_space<hbm>>, %arg7: memref<10240xf32, #tpu.memory_space<hbm>>, %arg8: memref<10240xf32, #tpu.memory_space<hbm>>, %arg9: memref<10240xf32, #tpu.memory_space<vmem_shared>>, %arg10: memref<10240xf32, #tpu.memory_space<vmem>>, %arg11: memref<160x128xi32, #tpu.memory_space<vmem>>, %arg12: memref<160x128xi32, #tpu.memory_space<vmem>>, %arg13: memref<128xf32, #tpu.memory_space<vmem>>, %arg14: memref<128xf32, #tpu.memory_space<vmem>>, %arg15: memref<640xf32, #tpu.memory_space<vmem>>, %arg16: memref<!tpu.dma_semaphore, #tpu.memory_space<semaphore_mem>>) attributes {dimension_semantics = [#tpu.dimension_semantics<core_parallel>, #tpu.dimension_semantics<subcore_parallel>], iteration_bounds = array<i64: 1, 16>, scalar_prefetch = 0 : i64, scratch_operands = 8 : i64, tpu.core_type = #tpu.core_type<sc_vector_subcore>, window_params = [{transform_indices = #map}, {transform_indices = #map}, {transform_indices = #map}, {transform_indices = #map1}, {transform_indices = #map1}, {transform_indices = #map}, {transform_indices = #map}]} {
    %mul3A = arith.constant 640 : i32
    %mul3A_0 = arith.muli %arg1, %mul3A : i32
    %mul3A_1 = arith.constant 640 : i32
    %mul3A_2 = arith.muli %arg1, %mul3A_1 : i32
    %dma_start3A = tpu.memref_slice %arg9[%mul3A_2] : memref<10240xf32, #tpu.memory_space<vmem_shared>> -> memref<640xf32, #tpu.memory_space<vmem_shared>>
    %dma_start3A_3 = tpu.memref_slice %arg7[%mul3A_0] : memref<10240xf32, #tpu.memory_space<hbm>> -> memref<640xf32, #tpu.memory_space<hbm>>
    tpu.enqueue_dma source(%dma_start3A_3 : memref<640xf32, #tpu.memory_space<hbm>>) target(%dma_start3A : memref<640xf32, #tpu.memory_space<vmem_shared>>) target_semaphore(%arg16 : memref<!tpu.dma_semaphore, #tpu.memory_space<semaphore_mem>>)
    tpu.enqueue_dma source(%arg2 : memref<10240xf32, #tpu.memory_space<hbm>>) target(%arg10 : memref<10240xf32, #tpu.memory_space<vmem>>) target_semaphore(%arg16 : memref<!tpu.dma_semaphore, #tpu.memory_space<semaphore_mem>>)
    %mul3A_4 = arith.constant 160 : i32
    %mul3A_5 = arith.muli %arg1, %mul3A_4 : i32
    %dma_start3A_6 = arith.constant 0 : i32
    %dma_start3A_7 = tpu.memref_slice %arg5[%mul3A_5, %dma_start3A_6] : memref<2560x128xi32, #tpu.memory_space<hbm>> -> memref<160x128xi32, #tpu.memory_space<hbm>>
    %dma_start3A_8 = arith.constant 0 : i32
    %dma_start3A_9 = tpu.memref_slice %arg5[%mul3A_5, %dma_start3A_8] : memref<2560x128xi32, #tpu.memory_space<hbm>> -> memref<160x128xi32, #tpu.memory_space<hbm>>
    tpu.enqueue_dma source(%dma_start3A_9 : memref<160x128xi32, #tpu.memory_space<hbm>>) target(%arg11 : memref<160x128xi32, #tpu.memory_space<vmem>>) target_semaphore(%arg16 : memref<!tpu.dma_semaphore, #tpu.memory_space<semaphore_mem>>)
    %mul3A_10 = arith.constant 160 : i32
    %mul3A_11 = arith.muli %arg1, %mul3A_10 : i32
    %dma_start3A_12 = arith.constant 0 : i32
    %dma_start3A_13 = tpu.memref_slice %arg6[%mul3A_11, %dma_start3A_12] : memref<2560x128xi32, #tpu.memory_space<hbm>> -> memref<160x128xi32, #tpu.memory_space<hbm>>
    %dma_start3A_14 = arith.constant 0 : i32
    %dma_start3A_15 = tpu.memref_slice %arg6[%mul3A_11, %dma_start3A_14] : memref<2560x128xi32, #tpu.memory_space<hbm>> -> memref<160x128xi32, #tpu.memory_space<hbm>>
    tpu.enqueue_dma source(%dma_start3A_15 : memref<160x128xi32, #tpu.memory_space<hbm>>) target(%arg12 : memref<160x128xi32, #tpu.memory_space<vmem>>) target_semaphore(%arg16 : memref<!tpu.dma_semaphore, #tpu.memory_space<semaphore_mem>>)
    %mul3A_16 = arith.constant 640 : i32
    %mul3A_17 = arith.muli %arg1, %mul3A_16 : i32
    %mul3A_18 = arith.constant 640 : i32
    %mul3A_19 = arith.muli %arg1, %mul3A_18 : i32
    %dma_wait3A = tpu.memref_slice %arg9[%mul3A_19] : memref<10240xf32, #tpu.memory_space<vmem_shared>> -> memref<640xf32, #tpu.memory_space<vmem_shared>>
    %dma_wait3A_20 = tpu.memref_slice %arg7[%mul3A_17] : memref<10240xf32, #tpu.memory_space<hbm>> -> memref<640xf32, #tpu.memory_space<hbm>>
    tpu.wait_dma2 semaphore(%arg16 : memref<!tpu.dma_semaphore, #tpu.memory_space<semaphore_mem>>) src(%dma_wait3A_20 : memref<640xf32, #tpu.memory_space<hbm>>) dst(%dma_wait3A : memref<640xf32, #tpu.memory_space<vmem_shared>>)
    tpu.wait_dma2 semaphore(%arg16 : memref<!tpu.dma_semaphore, #tpu.memory_space<semaphore_mem>>) src(%arg2 : memref<10240xf32, #tpu.memory_space<hbm>>) dst(%arg10 : memref<10240xf32, #tpu.memory_space<vmem>>)
    %mul3A_21 = arith.constant 160 : i32
    %mul3A_22 = arith.muli %arg1, %mul3A_21 : i32
    %dma_wait3A_23 = arith.constant 0 : i32
    %dma_wait3A_24 = tpu.memref_slice %arg5[%mul3A_22, %dma_wait3A_23] : memref<2560x128xi32, #tpu.memory_space<hbm>> -> memref<160x128xi32, #tpu.memory_space<hbm>>
    %dma_wait3A_25 = arith.constant 0 : i32
    %dma_wait3A_26 = tpu.memref_slice %arg5[%mul3A_22, %dma_wait3A_25] : memref<2560x128xi32, #tpu.memory_space<hbm>> -> memref<160x128xi32, #tpu.memory_space<hbm>>
    tpu.wait_dma2 semaphore(%arg16 : memref<!tpu.dma_semaphore, #tpu.memory_space<semaphore_mem>>) src(%dma_wait3A_26 : memref<160x128xi32, #tpu.memory_space<hbm>>) dst(%arg11 : memref<160x128xi32, #tpu.memory_space<vmem>>)
    %mul3A_27 = arith.constant 160 : i32
    %mul3A_28 = arith.muli %arg1, %mul3A_27 : i32
    %dma_wait3A_29 = arith.constant 0 : i32
    %dma_wait3A_30 = tpu.memref_slice %arg6[%mul3A_28, %dma_wait3A_29] : memref<2560x128xi32, #tpu.memory_space<hbm>> -> memref<160x128xi32, #tpu.memory_space<hbm>>
    %dma_wait3A_31 = arith.constant 0 : i32
    %dma_wait3A_32 = tpu.memref_slice %arg6[%mul3A_28, %dma_wait3A_31] : memref<2560x128xi32, #tpu.memory_space<hbm>> -> memref<160x128xi32, #tpu.memory_space<hbm>>
    tpu.wait_dma2 semaphore(%arg16 : memref<!tpu.dma_semaphore, #tpu.memory_space<semaphore_mem>>) src(%dma_wait3A_32 : memref<160x128xi32, #tpu.memory_space<hbm>>) dst(%arg12 : memref<160x128xi32, #tpu.memory_space<vmem>>)
    %barrier3A = arith.constant 0 : index
    tpu.barrier barrier_id(%barrier3A)
    %get3A = arith.constant 0 : i32
    %get3A_33 = arith.index_cast %get3A : i32 to index
    %get3A_34 = arith.constant 0 : index
    %get3A_35 = tpu.vector_load %arg12[%get3A_33, %get3A_34] {strides = array<i32>} : memref<160x128xi32, #tpu.memory_space<vmem>>, vector<16xi32>,
    %gather3A = tpu.vector_load_idx %arg10[%get3A_35] : memref<10240xf32, #tpu.memory_space<vmem>>[vector<16xi32>], vector<16xf32>,
    %swap3A = arith.constant 0 : index
    %swap3A_36 = tpu.vector_load %arg13[%swap3A] {strides = array<i32>} : memref<128xf32, #tpu.memory_space<vmem>>, vector<16xf32>,
    tpu.vector_store %arg13[%swap3A], %gather3A {strides = array<i32>} : memref<128xf32, #tpu.memory_space<vmem>>, vector<16xf32>,
    %get3A_37 = arith.constant 0 : i32
    %get3A_38 = arith.index_cast %get3A_37 : i32 to index
    %get3A_39 = arith.constant 16 : index
    %get3A_40 = tpu.vector_load %arg12[%get3A_38, %get3A_39] {strides = array<i32>} : memref<160x128xi32, #tpu.memory_space<vmem>>, vector<16xi32>,
    %gather3A_41 = tpu.vector_load_idx %arg10[%get3A_40] : memref<10240xf32, #tpu.memory_space<vmem>>[vector<16xi32>], vector<16xf32>,
    %swap3A_42 = arith.constant 16 : index
    %swap3A_43 = tpu.vector_load %arg13[%swap3A_42] {strides = array<i32>} : memref<128xf32, #tpu.memory_space<vmem>>, vector<16xf32>,
    tpu.vector_store %arg13[%swap3A_42], %gather3A_41 {strides = array<i32>} : memref<128xf32, #tpu.memory_space<vmem>>, vector<16xf32>,
    %get3A_44 = arith.constant 0 : i32
    %get3A_45 = arith.index_cast %get3A_44 : i32 to index
    %get3A_46 = arith.constant 32 : index
    %get3A_47 = tpu.vector_load %arg12[%get3A_45, %get3A_46] {strides = array<i32>} : memref<160x128xi32, #tpu.memory_space<vmem>>, vector<16xi32>,
    %gather3A_48 = tpu.vector_load_idx %arg10[%get3A_47] : memref<10240xf32, #tpu.memory_space<vmem>>[vector<16xi32>], vector<16xf32>,
    %swap3A_49 = arith.constant 32 : index
    %swap3A_50 = tpu.vector_load %arg13[%swap3A_49] {strides = array<i32>} : memref<128xf32, #tpu.memory_space<vmem>>, vector<16xf32>,
    tpu.vector_store %arg13[%swap3A_49], %gather3A_48 {strides = array<i32>} : memref<128xf32, #tpu.memory_space<vmem>>, vector<16xf32>,
    %get3A_51 = arith.constant 0 : i32
    %get3A_52 = arith.index_cast %get3A_51 : i32 to index
    %get3A_53 = arith.constant 48 : index
    %get3A_54 = tpu.vector_load %arg12[%get3A_52, %get3A_53] {strides = array<i32>} : memref<160x128xi32, #tpu.memory_space<vmem>>, vector<16xi32>,
    %gather3A_55 = tpu.vector_load_idx %arg10[%get3A_54] : memref<10240xf32, #tpu.memory_space<vmem>>[vector<16xi32>], vector<16xf32>,
    %swap3A_56 = arith.constant 48 : index
    %swap3A_57 = tpu.vector_load %arg13[%swap3A_56] {strides = array<i32>} : memref<128xf32, #tpu.memory_space<vmem>>, vector<16xf32>,
    tpu.vector_store %arg13[%swap3A_56], %gather3A_55 {strides = array<i32>} : memref<128xf32, #tpu.memory_space<vmem>>, vector<16xf32>,
    %get3A_58 = arith.constant 0 : i32
    %get3A_59 = arith.index_cast %get3A_58 : i32 to index
    %get3A_60 = arith.constant 64 : index
    %get3A_61 = tpu.vector_load %arg12[%get3A_59, %get3A_60] {strides = array<i32>} : memref<160x128xi32, #tpu.memory_space<vmem>>, vector<16xi32>,
    %gather3A_62 = tpu.vector_load_idx %arg10[%get3A_61] : memref<10240xf32, #tpu.memory_space<vmem>>[vector<16xi32>], vector<16xf32>,
    %swap3A_63 = arith.constant 64 : index
    %swap3A_64 = tpu.vector_load %arg13[%swap3A_63] {strides = array<i32>} : memref<128xf32, #tpu.memory_space<vmem>>, vector<16xf32>,
    tpu.vector_store %arg13[%swap3A_63], %gather3A_62 {strides = array<i32>} : memref<128xf32, #tpu.memory_space<vmem>>, vector<16xf32>,
    %get3A_65 = arith.constant 0 : i32
    %get3A_66 = arith.index_cast %get3A_65 : i32 to index
    %get3A_67 = arith.constant 80 : index
    %get3A_68 = tpu.vector_load %arg12[%get3A_66, %get3A_67] {strides = array<i32>} : memref<160x128xi32, #tpu.memory_space<vmem>>, vector<16xi32>,
    %gather3A_69 = tpu.vector_load_idx %arg10[%get3A_68] : memref<10240xf32, #tpu.memory_space<vmem>>[vector<16xi32>], vector<16xf32>,
    %swap3A_70 = arith.constant 80 : index
    %swap3A_71 = tpu.vector_load %arg13[%swap3A_70] {strides = array<i32>} : memref<128xf32, #tpu.memory_space<vmem>>, vector<16xf32>,
    tpu.vector_store %arg13[%swap3A_70], %gather3A_69 {strides = array<i32>} : memref<128xf32, #tpu.memory_space<vmem>>, vector<16xf32>,
    %get3A_72 = arith.constant 0 : i32
    %get3A_73 = arith.index_cast %get3A_72 : i32 to index
    %get3A_74 = arith.constant 96 : index
    %get3A_75 = tpu.vector_load %arg12[%get3A_73, %get3A_74] {strides = array<i32>} : memref<160x128xi32, #tpu.memory_space<vmem>>, vector<16xi32>,
    %gather3A_76 = tpu.vector_load_idx %arg10[%get3A_75] : memref<10240xf32, #tpu.memory_space<vmem>>[vector<16xi32>], vector<16xf32>,
    %swap3A_77 = arith.constant 96 : index
    %swap3A_78 = tpu.vector_load %arg13[%swap3A_77] {strides = array<i32>} : memref<128xf32, #tpu.memory_space<vmem>>, vector<16xf32>,
    tpu.vector_store %arg13[%swap3A_77], %gather3A_76 {strides = array<i32>} : memref<128xf32, #tpu.memory_space<vmem>>, vector<16xf32>,
    %get3A_79 = arith.constant 0 : i32
    %get3A_80 = arith.index_cast %get3A_79 : i32 to index
    %get3A_81 = arith.constant 112 : index
    %get3A_82 = tpu.vector_load %arg12[%get3A_80, %get3A_81] {strides = array<i32>} : memref<160x128xi32, #tpu.memory_space<vmem>>, vector<16xi32>,
    %gather3A_83 = tpu.vector_load_idx %arg10[%get3A_82] : memref<10240xf32, #tpu.memory_space<vmem>>[vector<16xi32>], vector<16xf32>,
    %swap3A_84 = arith.constant 112 : index
    %swap3A_85 = tpu.vector_load %arg13[%swap3A_84] {strides = array<i32>} : memref<128xf32, #tpu.memory_space<vmem>>, vector<16xf32>,
    tpu.vector_store %arg13[%swap3A_84], %gather3A_83 {strides = array<i32>} : memref<128xf32, #tpu.memory_space<vmem>>, vector<16xf32>,
    %dma_start3A_86 = arith.constant 0 : i32
    %dma_start3A_87 = arith.constant 0 : i32
    %dma_start3A_88 = tpu.memref_slice %arg11[%dma_start3A_86, %dma_start3A_87] : memref<160x128xi32, #tpu.memory_space<vmem>> -> memref<1x128xi32, #tpu.memory_space<vmem>>
    %dma_start3A_89 = tpu.memref_squeeze %dma_start3A_88 : memref<1x128xi32, #tpu.memory_space<vmem>> -> memref<128xi32, #tpu.memory_space<vmem>>
    %dma_start3A_90 = arith.constant 0 : i32
    %dma_start3A_91 = tpu.memref_slice %arg9[%dma_start3A_90] : memref<10240xf32, #tpu.memory_space<vmem_shared>> -> memref<10240xf32, #tpu.memory_space<vmem_shared>>
    tpu.enqueue_indirect_dma source(%arg13 : memref<128xf32, #tpu.memory_space<vmem>>) target(%dma_start3A_91 : memref<10240xf32, #tpu.memory_space<vmem_shared>>) offsets(%dma_start3A_89 : memref<128xi32, #tpu.memory_space<vmem>>) semaphore(%arg16 : memref<!tpu.dma_semaphore, #tpu.memory_space<semaphore_mem>>) {add = true}
    %scan3A = arith.constant 0 : i32
    %scan3A_92 = arith.constant 0 : i32
    %scan3A_93 = arith.constant 79 : i32
    %scan3A_94 = arith.addi %scan3A_92, %scan3A_93 : i32
    %scan3A_95 = arith.constant 1 : i32
    scf.for %scan3A_186 = %scan3A_92 to %scan3A_94 step %scan3A_95  : i32 {
      %mul3A_187 = arith.constant 2 : i32
      %mul3A_188 = arith.muli %mul3A_187, %scan3A_186 : i32
      %add3A = arith.constant 1 : i32
      %add3A_189 = arith.addi %mul3A_188, %add3A : i32
      %get3A_190 = arith.index_cast %add3A_189 : i32 to index
      %get3A_191 = arith.constant 0 : index
      %get3A_192 = tpu.vector_load %arg12[%get3A_190, %get3A_191] {strides = array<i32>} : memref<160x128xi32, #tpu.memory_space<vmem>>, vector<16xi32>,
      %gather3A_193 = tpu.vector_load_idx %arg10[%get3A_192] : memref<10240xf32, #tpu.memory_space<vmem>>[vector<16xi32>], vector<16xf32>,
      %swap3A_194 = arith.constant 0 : index
      %swap3A_195 = tpu.vector_load %arg14[%swap3A_194] {strides = array<i32>} : memref<128xf32, #tpu.memory_space<vmem>>, vector<16xf32>,
      tpu.vector_store %arg14[%swap3A_194], %gather3A_193 {strides = array<i32>} : memref<128xf32, #tpu.memory_space<vmem>>, vector<16xf32>,
      %get3A_196 = arith.index_cast %add3A_189 : i32 to index
      %get3A_197 = arith.constant 16 : index
      %get3A_198 = tpu.vector_load %arg12[%get3A_196, %get3A_197] {strides = array<i32>} : memref<160x128xi32, #tpu.memory_space<vmem>>, vector<16xi32>,
      %gather3A_199 = tpu.vector_load_idx %arg10[%get3A_198] : memref<10240xf32, #tpu.memory_space<vmem>>[vector<16xi32>], vector<16xf32>,
      %swap3A_200 = arith.constant 16 : index
      %swap3A_201 = tpu.vector_load %arg14[%swap3A_200] {strides = array<i32>} : memref<128xf32, #tpu.memory_space<vmem>>, vector<16xf32>,
      tpu.vector_store %arg14[%swap3A_200], %gather3A_199 {strides = array<i32>} : memref<128xf32, #tpu.memory_space<vmem>>, vector<16xf32>,
      %get3A_202 = arith.index_cast %add3A_189 : i32 to index
      %get3A_203 = arith.constant 32 : index
      %get3A_204 = tpu.vector_load %arg12[%get3A_202, %get3A_203] {strides = array<i32>} : memref<160x128xi32, #tpu.memory_space<vmem>>, vector<16xi32>,
      %gather3A_205 = tpu.vector_load_idx %arg10[%get3A_204] : memref<10240xf32, #tpu.memory_space<vmem>>[vector<16xi32>], vector<16xf32>,
      %swap3A_206 = arith.constant 32 : index
      %swap3A_207 = tpu.vector_load %arg14[%swap3A_206] {strides = array<i32>} : memref<128xf32, #tpu.memory_space<vmem>>, vector<16xf32>,
      tpu.vector_store %arg14[%swap3A_206], %gather3A_205 {strides = array<i32>} : memref<128xf32, #tpu.memory_space<vmem>>, vector<16xf32>,
      %get3A_208 = arith.index_cast %add3A_189 : i32 to index
      %get3A_209 = arith.constant 48 : index
      %get3A_210 = tpu.vector_load %arg12[%get3A_208, %get3A_209] {strides = array<i32>} : memref<160x128xi32, #tpu.memory_space<vmem>>, vector<16xi32>,
      %gather3A_211 = tpu.vector_load_idx %arg10[%get3A_210] : memref<10240xf32, #tpu.memory_space<vmem>>[vector<16xi32>], vector<16xf32>,
      %swap3A_212 = arith.constant 48 : index
      %swap3A_213 = tpu.vector_load %arg14[%swap3A_212] {strides = array<i32>} : memref<128xf32, #tpu.memory_space<vmem>>, vector<16xf32>,
      tpu.vector_store %arg14[%swap3A_212], %gather3A_211 {strides = array<i32>} : memref<128xf32, #tpu.memory_space<vmem>>, vector<16xf32>,
      %get3A_214 = arith.index_cast %add3A_189 : i32 to index
      %get3A_215 = arith.constant 64 : index
      %get3A_216 = tpu.vector_load %arg12[%get3A_214, %get3A_215] {strides = array<i32>} : memref<160x128xi32, #tpu.memory_space<vmem>>, vector<16xi32>,
      %gather3A_217 = tpu.vector_load_idx %arg10[%get3A_216] : memref<10240xf32, #tpu.memory_space<vmem>>[vector<16xi32>], vector<16xf32>,
      %swap3A_218 = arith.constant 64 : index
      %swap3A_219 = tpu.vector_load %arg14[%swap3A_218] {strides = array<i32>} : memref<128xf32, #tpu.memory_space<vmem>>, vector<16xf32>,
      tpu.vector_store %arg14[%swap3A_218], %gather3A_217 {strides = array<i32>} : memref<128xf32, #tpu.memory_space<vmem>>, vector<16xf32>,
      %get3A_220 = arith.index_cast %add3A_189 : i32 to index
      %get3A_221 = arith.constant 80 : index
      %get3A_222 = tpu.vector_load %arg12[%get3A_220, %get3A_221] {strides = array<i32>} : memref<160x128xi32, #tpu.memory_space<vmem>>, vector<16xi32>,
      %gather3A_223 = tpu.vector_load_idx %arg10[%get3A_222] : memref<10240xf32, #tpu.memory_space<vmem>>[vector<16xi32>], vector<16xf32>,
      %swap3A_224 = arith.constant 80 : index
      %swap3A_225 = tpu.vector_load %arg14[%swap3A_224] {strides = array<i32>} : memref<128xf32, #tpu.memory_space<vmem>>, vector<16xf32>,
      tpu.vector_store %arg14[%swap3A_224], %gather3A_223 {strides = array<i32>} : memref<128xf32, #tpu.memory_space<vmem>>, vector<16xf32>,
      %get3A_226 = arith.index_cast %add3A_189 : i32 to index
      %get3A_227 = arith.constant 96 : index
      %get3A_228 = tpu.vector_load %arg12[%get3A_226, %get3A_227] {strides = array<i32>} : memref<160x128xi32, #tpu.memory_space<vmem>>, vector<16xi32>,
      %gather3A_229 = tpu.vector_load_idx %arg10[%get3A_228] : memref<10240xf32, #tpu.memory_space<vmem>>[vector<16xi32>], vector<16xf32>,
      %swap3A_230 = arith.constant 96 : index
      %swap3A_231 = tpu.vector_load %arg14[%swap3A_230] {strides = array<i32>} : memref<128xf32, #tpu.memory_space<vmem>>, vector<16xf32>,
      tpu.vector_store %arg14[%swap3A_230], %gather3A_229 {strides = array<i32>} : memref<128xf32, #tpu.memory_space<vmem>>, vector<16xf32>,
      %get3A_232 = arith.index_cast %add3A_189 : i32 to index
      %get3A_233 = arith.constant 112 : index
      %get3A_234 = tpu.vector_load %arg12[%get3A_232, %get3A_233] {strides = array<i32>} : memref<160x128xi32, #tpu.memory_space<vmem>>, vector<16xi32>,
      %gather3A_235 = tpu.vector_load_idx %arg10[%get3A_234] : memref<10240xf32, #tpu.memory_space<vmem>>[vector<16xi32>], vector<16xf32>,
      %swap3A_236 = arith.constant 112 : index
      %swap3A_237 = tpu.vector_load %arg14[%swap3A_236] {strides = array<i32>} : memref<128xf32, #tpu.memory_space<vmem>>, vector<16xf32>,
      tpu.vector_store %arg14[%swap3A_236], %gather3A_235 {strides = array<i32>} : memref<128xf32, #tpu.memory_space<vmem>>, vector<16xf32>,
      %dma_wait3A_238 = arith.constant 0 : i32
      %dma_wait3A_239 = tpu.memref_slice %arg11[%mul3A_188, %dma_wait3A_238] : memref<160x128xi32, #tpu.memory_space<vmem>> -> memref<1x128xi32, #tpu.memory_space<vmem>>
      %dma_wait3A_240 = tpu.memref_squeeze %dma_wait3A_239 : memref<1x128xi32, #tpu.memory_space<vmem>> -> memref<128xi32, #tpu.memory_space<vmem>>
      %dma_wait3A_241 = arith.constant 0 : i32
      %dma_wait3A_242 = tpu.memref_slice %arg9[%dma_wait3A_241] : memref<10240xf32, #tpu.memory_space<vmem_shared>> -> memref<10240xf32, #tpu.memory_space<vmem_shared>>
      tpu.wait_indirect_dma semaphore(%arg16 : memref<!tpu.dma_semaphore, #tpu.memory_space<semaphore_mem>>) src(%arg13 : memref<128xf32, #tpu.memory_space<vmem>>) dst(%dma_wait3A_242 : memref<10240xf32, #tpu.memory_space<vmem_shared>>)
      %dma_start3A_243 = arith.constant 0 : i32
      %dma_start3A_244 = tpu.memref_slice %arg11[%add3A_189, %dma_start3A_243] : memref<160x128xi32, #tpu.memory_space<vmem>> -> memref<1x128xi32, #tpu.memory_space<vmem>>
      %dma_start3A_245 = tpu.memref_squeeze %dma_start3A_244 : memref<1x128xi32, #tpu.memory_space<vmem>> -> memref<128xi32, #tpu.memory_space<vmem>>
      %dma_start3A_246 = arith.constant 0 : i32
      %dma_start3A_247 = tpu.memref_slice %arg9[%dma_start3A_246] : memref<10240xf32, #tpu.memory_space<vmem_shared>> -> memref<10240xf32, #tpu.memory_space<vmem_shared>>
      tpu.enqueue_indirect_dma source(%arg14 : memref<128xf32, #tpu.memory_space<vmem>>) target(%dma_start3A_247 : memref<10240xf32, #tpu.memory_space<vmem_shared>>) offsets(%dma_start3A_245 : memref<128xi32, #tpu.memory_space<vmem>>) semaphore(%arg16 : memref<!tpu.dma_semaphore, #tpu.memory_space<semaphore_mem>>) {add = true}
      %add3A_248 = arith.constant 2 : i32
      %add3A_249 = arith.addi %mul3A_188, %add3A_248 : i32
      %get3A_250 = arith.index_cast %add3A_249 : i32 to index
      %get3A_251 = arith.constant 0 : index
      %get3A_252 = tpu.vector_load %arg12[%get3A_250, %get3A_251] {strides = array<i32>} : memref<160x128xi32, #tpu.memory_space<vmem>>, vector<16xi32>,
      %gather3A_253 = tpu.vector_load_idx %arg10[%get3A_252] : memref<10240xf32, #tpu.memory_space<vmem>>[vector<16xi32>], vector<16xf32>,
      %swap3A_254 = arith.constant 0 : index
      %swap3A_255 = tpu.vector_load %arg13[%swap3A_254] {strides = array<i32>} : memref<128xf32, #tpu.memory_space<vmem>>, vector<16xf32>,
      tpu.vector_store %arg13[%swap3A_254], %gather3A_253 {strides = array<i32>} : memref<128xf32, #tpu.memory_space<vmem>>, vector<16xf32>,
      %get3A_256 = arith.index_cast %add3A_249 : i32 to index
      %get3A_257 = arith.constant 16 : index
      %get3A_258 = tpu.vector_load %arg12[%get3A_256, %get3A_257] {strides = array<i32>} : memref<160x128xi32, #tpu.memory_space<vmem>>, vector<16xi32>,
      %gather3A_259 = tpu.vector_load_idx %arg10[%get3A_258] : memref<10240xf32, #tpu.memory_space<vmem>>[vector<16xi32>], vector<16xf32>,
      %swap3A_260 = arith.constant 16 : index
      %swap3A_261 = tpu.vector_load %arg13[%swap3A_260] {strides = array<i32>} : memref<128xf32, #tpu.memory_space<vmem>>, vector<16xf32>,
      tpu.vector_store %arg13[%swap3A_260], %gather3A_259 {strides = array<i32>} : memref<128xf32, #tpu.memory_space<vmem>>, vector<16xf32>,
      %get3A_262 = arith.index_cast %add3A_249 : i32 to index
      %get3A_263 = arith.constant 32 : index
      %get3A_264 = tpu.vector_load %arg12[%get3A_262, %get3A_263] {strides = array<i32>} : memref<160x128xi32, #tpu.memory_space<vmem>>, vector<16xi32>,
      %gather3A_265 = tpu.vector_load_idx %arg10[%get3A_264] : memref<10240xf32, #tpu.memory_space<vmem>>[vector<16xi32>], vector<16xf32>,
      %swap3A_266 = arith.constant 32 : index
      %swap3A_267 = tpu.vector_load %arg13[%swap3A_266] {strides = array<i32>} : memref<128xf32, #tpu.memory_space<vmem>>, vector<16xf32>,
      tpu.vector_store %arg13[%swap3A_266], %gather3A_265 {strides = array<i32>} : memref<128xf32, #tpu.memory_space<vmem>>, vector<16xf32>,
      %get3A_268 = arith.index_cast %add3A_249 : i32 to index
      %get3A_269 = arith.constant 48 : index
      %get3A_270 = tpu.vector_load %arg12[%get3A_268, %get3A_269] {strides = array<i32>} : memref<160x128xi32, #tpu.memory_space<vmem>>, vector<16xi32>,
      %gather3A_271 = tpu.vector_load_idx %arg10[%get3A_270] : memref<10240xf32, #tpu.memory_space<vmem>>[vector<16xi32>], vector<16xf32>,
      %swap3A_272 = arith.constant 48 : index
      %swap3A_273 = tpu.vector_load %arg13[%swap3A_272] {strides = array<i32>} : memref<128xf32, #tpu.memory_space<vmem>>, vector<16xf32>,
      tpu.vector_store %arg13[%swap3A_272], %gather3A_271 {strides = array<i32>} : memref<128xf32, #tpu.memory_space<vmem>>, vector<16xf32>,
      %get3A_274 = arith.index_cast %add3A_249 : i32 to index
      %get3A_275 = arith.constant 64 : index
      %get3A_276 = tpu.vector_load %arg12[%get3A_274, %get3A_275] {strides = array<i32>} : memref<160x128xi32, #tpu.memory_space<vmem>>, vector<16xi32>,
      %gather3A_277 = tpu.vector_load_idx %arg10[%get3A_276] : memref<10240xf32, #tpu.memory_space<vmem>>[vector<16xi32>], vector<16xf32>,
      %swap3A_278 = arith.constant 64 : index
      %swap3A_279 = tpu.vector_load %arg13[%swap3A_278] {strides = array<i32>} : memref<128xf32, #tpu.memory_space<vmem>>, vector<16xf32>,
      tpu.vector_store %arg13[%swap3A_278], %gather3A_277 {strides = array<i32>} : memref<128xf32, #tpu.memory_space<vmem>>, vector<16xf32>,
      %get3A_280 = arith.index_cast %add3A_249 : i32 to index
      %get3A_281 = arith.constant 80 : index
      %get3A_282 = tpu.vector_load %arg12[%get3A_280, %get3A_281] {strides = array<i32>} : memref<160x128xi32, #tpu.memory_space<vmem>>, vector<16xi32>,
      %gather3A_283 = tpu.vector_load_idx %arg10[%get3A_282] : memref<10240xf32, #tpu.memory_space<vmem>>[vector<16xi32>], vector<16xf32>,
      %swap3A_284 = arith.constant 80 : index
      %swap3A_285 = tpu.vector_load %arg13[%swap3A_284] {strides = array<i32>} : memref<128xf32, #tpu.memory_space<vmem>>, vector<16xf32>,
      tpu.vector_store %arg13[%swap3A_284], %gather3A_283 {strides = array<i32>} : memref<128xf32, #tpu.memory_space<vmem>>, vector<16xf32>,
      %get3A_286 = arith.index_cast %add3A_249 : i32 to index
      %get3A_287 = arith.constant 96 : index
      %get3A_288 = tpu.vector_load %arg12[%get3A_286, %get3A_287] {strides = array<i32>} : memref<160x128xi32, #tpu.memory_space<vmem>>, vector<16xi32>,
      %gather3A_289 = tpu.vector_load_idx %arg10[%get3A_288] : memref<10240xf32, #tpu.memory_space<vmem>>[vector<16xi32>], vector<16xf32>,
      %swap3A_290 = arith.constant 96 : index
      %swap3A_291 = tpu.vector_load %arg13[%swap3A_290] {strides = array<i32>} : memref<128xf32, #tpu.memory_space<vmem>>, vector<16xf32>,
      tpu.vector_store %arg13[%swap3A_290], %gather3A_289 {strides = array<i32>} : memref<128xf32, #tpu.memory_space<vmem>>, vector<16xf32>,
      %get3A_292 = arith.index_cast %add3A_249 : i32 to index
      %get3A_293 = arith.constant 112 : index
      %get3A_294 = tpu.vector_load %arg12[%get3A_292, %get3A_293] {strides = array<i32>} : memref<160x128xi32, #tpu.memory_space<vmem>>, vector<16xi32>,
      %gather3A_295 = tpu.vector_load_idx %arg10[%get3A_294] : memref<10240xf32, #tpu.memory_space<vmem>>[vector<16xi32>], vector<16xf32>,
      %swap3A_296 = arith.constant 112 : index
      %swap3A_297 = tpu.vector_load %arg13[%swap3A_296] {strides = array<i32>} : memref<128xf32, #tpu.memory_space<vmem>>, vector<16xf32>,
      tpu.vector_store %arg13[%swap3A_296], %gather3A_295 {strides = array<i32>} : memref<128xf32, #tpu.memory_space<vmem>>, vector<16xf32>,
      %dma_wait3A_298 = arith.constant 0 : i32
      %dma_wait3A_299 = tpu.memref_slice %arg11[%add3A_189, %dma_wait3A_298] : memref<160x128xi32, #tpu.memory_space<vmem>> -> memref<1x128xi32, #tpu.memory_space<vmem>>
      %dma_wait3A_300 = tpu.memref_squeeze %dma_wait3A_299 : memref<1x128xi32, #tpu.memory_space<vmem>> -> memref<128xi32, #tpu.memory_space<vmem>>
      %dma_wait3A_301 = arith.constant 0 : i32
      %dma_wait3A_302 = tpu.memref_slice %arg9[%dma_wait3A_301] : memref<10240xf32, #tpu.memory_space<vmem_shared>> -> memref<10240xf32, #tpu.memory_space<vmem_shared>>
      tpu.wait_indirect_dma semaphore(%arg16 : memref<!tpu.dma_semaphore, #tpu.memory_space<semaphore_mem>>) src(%arg14 : memref<128xf32, #tpu.memory_space<vmem>>) dst(%dma_wait3A_302 : memref<10240xf32, #tpu.memory_space<vmem_shared>>)
      %add3A_303 = arith.constant 2 : i32
      %add3A_304 = arith.addi %mul3A_188, %add3A_303 : i32
      %dma_start3A_305 = arith.constant 0 : i32
      %dma_start3A_306 = tpu.memref_slice %arg11[%add3A_304, %dma_start3A_305] : memref<160x128xi32, #tpu.memory_space<vmem>> -> memref<1x128xi32, #tpu.memory_space<vmem>>
      %dma_start3A_307 = tpu.memref_squeeze %dma_start3A_306 : memref<1x128xi32, #tpu.memory_space<vmem>> -> memref<128xi32, #tpu.memory_space<vmem>>
      %dma_start3A_308 = arith.constant 0 : i32
      %dma_start3A_309 = tpu.memref_slice %arg9[%dma_start3A_308] : memref<10240xf32, #tpu.memory_space<vmem_shared>> -> memref<10240xf32, #tpu.memory_space<vmem_shared>>
      tpu.enqueue_indirect_dma source(%arg13 : memref<128xf32, #tpu.memory_space<vmem>>) target(%dma_start3A_309 : memref<10240xf32, #tpu.memory_space<vmem_shared>>) offsets(%dma_start3A_307 : memref<128xi32, #tpu.memory_space<vmem>>) semaphore(%arg16 : memref<!tpu.dma_semaphore, #tpu.memory_space<semaphore_mem>>) {add = true}
    }
    %scan3A_96 = arith.constant 79 : i32
    %get3A_97 = arith.constant 159 : i32
    %get3A_98 = arith.index_cast %get3A_97 : i32 to index
    %get3A_99 = arith.constant 0 : index
    %get3A_100 = tpu.vector_load %arg12[%get3A_98, %get3A_99] {strides = array<i32>} : memref<160x128xi32, #tpu.memory_space<vmem>>, vector<16xi32>,
    %gather3A_101 = tpu.vector_load_idx %arg10[%get3A_100] : memref<10240xf32, #tpu.memory_space<vmem>>[vector<16xi32>], vector<16xf32>,
    %swap3A_102 = arith.constant 0 : index
    %swap3A_103 = tpu.vector_load %arg14[%swap3A_102] {strides = array<i32>} : memref<128xf32, #tpu.memory_space<vmem>>, vector<16xf32>,
    tpu.vector_store %arg14[%swap3A_102], %gather3A_101 {strides = array<i32>} : memref<128xf32, #tpu.memory_space<vmem>>, vector<16xf32>,
    %get3A_104 = arith.constant 159 : i32
    %get3A_105 = arith.index_cast %get3A_104 : i32 to index
    %get3A_106 = arith.constant 16 : index
    %get3A_107 = tpu.vector_load %arg12[%get3A_105, %get3A_106] {strides = array<i32>} : memref<160x128xi32, #tpu.memory_space<vmem>>, vector<16xi32>,
    %gather3A_108 = tpu.vector_load_idx %arg10[%get3A_107] : memref<10240xf32, #tpu.memory_space<vmem>>[vector<16xi32>], vector<16xf32>,
    %swap3A_109 = arith.constant 16 : index
    %swap3A_110 = tpu.vector_load %arg14[%swap3A_109] {strides = array<i32>} : memref<128xf32, #tpu.memory_space<vmem>>, vector<16xf32>,
    tpu.vector_store %arg14[%swap3A_109], %gather3A_108 {strides = array<i32>} : memref<128xf32, #tpu.memory_space<vmem>>, vector<16xf32>,
    %get3A_111 = arith.constant 159 : i32
    %get3A_112 = arith.index_cast %get3A_111 : i32 to index
    %get3A_113 = arith.constant 32 : index
    %get3A_114 = tpu.vector_load %arg12[%get3A_112, %get3A_113] {strides = array<i32>} : memref<160x128xi32, #tpu.memory_space<vmem>>, vector<16xi32>,
    %gather3A_115 = tpu.vector_load_idx %arg10[%get3A_114] : memref<10240xf32, #tpu.memory_space<vmem>>[vector<16xi32>], vector<16xf32>,
    %swap3A_116 = arith.constant 32 : index
    %swap3A_117 = tpu.vector_load %arg14[%swap3A_116] {strides = array<i32>} : memref<128xf32, #tpu.memory_space<vmem>>, vector<16xf32>,
    tpu.vector_store %arg14[%swap3A_116], %gather3A_115 {strides = array<i32>} : memref<128xf32, #tpu.memory_space<vmem>>, vector<16xf32>,
    %get3A_118 = arith.constant 159 : i32
    %get3A_119 = arith.index_cast %get3A_118 : i32 to index
    %get3A_120 = arith.constant 48 : index
    %get3A_121 = tpu.vector_load %arg12[%get3A_119, %get3A_120] {strides = array<i32>} : memref<160x128xi32, #tpu.memory_space<vmem>>, vector<16xi32>,
    %gather3A_122 = tpu.vector_load_idx %arg10[%get3A_121] : memref<10240xf32, #tpu.memory_space<vmem>>[vector<16xi32>], vector<16xf32>,
    %swap3A_123 = arith.constant 48 : index
    %swap3A_124 = tpu.vector_load %arg14[%swap3A_123] {strides = array<i32>} : memref<128xf32, #tpu.memory_space<vmem>>, vector<16xf32>,
    tpu.vector_store %arg14[%swap3A_123], %gather3A_122 {strides = array<i32>} : memref<128xf32, #tpu.memory_space<vmem>>, vector<16xf32>,
    %get3A_125 = arith.constant 159 : i32
    %get3A_126 = arith.index_cast %get3A_125 : i32 to index
    %get3A_127 = arith.constant 64 : index
    %get3A_128 = tpu.vector_load %arg12[%get3A_126, %get3A_127] {strides = array<i32>} : memref<160x128xi32, #tpu.memory_space<vmem>>, vector<16xi32>,
    %gather3A_129 = tpu.vector_load_idx %arg10[%get3A_128] : memref<10240xf32, #tpu.memory_space<vmem>>[vector<16xi32>], vector<16xf32>,
    %swap3A_130 = arith.constant 64 : index
    %swap3A_131 = tpu.vector_load %arg14[%swap3A_130] {strides = array<i32>} : memref<128xf32, #tpu.memory_space<vmem>>, vector<16xf32>,
    tpu.vector_store %arg14[%swap3A_130], %gather3A_129 {strides = array<i32>} : memref<128xf32, #tpu.memory_space<vmem>>, vector<16xf32>,
    %get3A_132 = arith.constant 159 : i32
    %get3A_133 = arith.index_cast %get3A_132 : i32 to index
    %get3A_134 = arith.constant 80 : index
    %get3A_135 = tpu.vector_load %arg12[%get3A_133, %get3A_134] {strides = array<i32>} : memref<160x128xi32, #tpu.memory_space<vmem>>, vector<16xi32>,
    %gather3A_136 = tpu.vector_load_idx %arg10[%get3A_135] : memref<10240xf32, #tpu.memory_space<vmem>>[vector<16xi32>], vector<16xf32>,
    %swap3A_137 = arith.constant 80 : index
    %swap3A_138 = tpu.vector_load %arg14[%swap3A_137] {strides = array<i32>} : memref<128xf32, #tpu.memory_space<vmem>>, vector<16xf32>,
    tpu.vector_store %arg14[%swap3A_137], %gather3A_136 {strides = array<i32>} : memref<128xf32, #tpu.memory_space<vmem>>, vector<16xf32>,
    %get3A_139 = arith.constant 159 : i32
    %get3A_140 = arith.index_cast %get3A_139 : i32 to index
    %get3A_141 = arith.constant 96 : index
    %get3A_142 = tpu.vector_load %arg12[%get3A_140, %get3A_141] {strides = array<i32>} : memref<160x128xi32, #tpu.memory_space<vmem>>, vector<16xi32>,
    %gather3A_143 = tpu.vector_load_idx %arg10[%get3A_142] : memref<10240xf32, #tpu.memory_space<vmem>>[vector<16xi32>], vector<16xf32>,
    %swap3A_144 = arith.constant 96 : index
    %swap3A_145 = tpu.vector_load %arg14[%swap3A_144] {strides = array<i32>} : memref<128xf32, #tpu.memory_space<vmem>>, vector<16xf32>,
    tpu.vector_store %arg14[%swap3A_144], %gather3A_143 {strides = array<i32>} : memref<128xf32, #tpu.memory_space<vmem>>, vector<16xf32>,
    %get3A_146 = arith.constant 159 : i32
    %get3A_147 = arith.index_cast %get3A_146 : i32 to index
    %get3A_148 = arith.constant 112 : index
    %get3A_149 = tpu.vector_load %arg12[%get3A_147, %get3A_148] {strides = array<i32>} : memref<160x128xi32, #tpu.memory_space<vmem>>, vector<16xi32>,
    %gather3A_150 = tpu.vector_load_idx %arg10[%get3A_149] : memref<10240xf32, #tpu.memory_space<vmem>>[vector<16xi32>], vector<16xf32>,
    %swap3A_151 = arith.constant 112 : index
    %swap3A_152 = tpu.vector_load %arg14[%swap3A_151] {strides = array<i32>} : memref<128xf32, #tpu.memory_space<vmem>>, vector<16xf32>,
    tpu.vector_store %arg14[%swap3A_151], %gather3A_150 {strides = array<i32>} : memref<128xf32, #tpu.memory_space<vmem>>, vector<16xf32>,
    %dma_wait3A_153 = arith.constant 158 : i32
    %dma_wait3A_154 = arith.constant 0 : i32
    %dma_wait3A_155 = tpu.memref_slice %arg11[%dma_wait3A_153, %dma_wait3A_154] : memref<160x128xi32, #tpu.memory_space<vmem>> -> memref<1x128xi32, #tpu.memory_space<vmem>>
    %dma_wait3A_156 = tpu.memref_squeeze %dma_wait3A_155 : memref<1x128xi32, #tpu.memory_space<vmem>> -> memref<128xi32, #tpu.memory_space<vmem>>
    %dma_wait3A_157 = arith.constant 0 : i32
    %dma_wait3A_158 = tpu.memref_slice %arg9[%dma_wait3A_157] : memref<10240xf32, #tpu.memory_space<vmem_shared>> -> memref<10240xf32, #tpu.memory_space<vmem_shared>>
    tpu.wait_indirect_dma semaphore(%arg16 : memref<!tpu.dma_semaphore, #tpu.memory_space<semaphore_mem>>) src(%arg13 : memref<128xf32, #tpu.memory_space<vmem>>) dst(%dma_wait3A_158 : memref<10240xf32, #tpu.memory_space<vmem_shared>>)
    %dma_start3A_159 = arith.constant 159 : i32
    %dma_start3A_160 = arith.constant 0 : i32
    %dma_start3A_161 = tpu.memref_slice %arg11[%dma_start3A_159, %dma_start3A_160] : memref<160x128xi32, #tpu.memory_space<vmem>> -> memref<1x128xi32, #tpu.memory_space<vmem>>
    %dma_start3A_162 = tpu.memref_squeeze %dma_start3A_161 : memref<1x128xi32, #tpu.memory_space<vmem>> -> memref<128xi32, #tpu.memory_space<vmem>>
    %dma_start3A_163 = arith.constant 0 : i32
    %dma_start3A_164 = tpu.memref_slice %arg9[%dma_start3A_163] : memref<10240xf32, #tpu.memory_space<vmem_shared>> -> memref<10240xf32, #tpu.memory_space<vmem_shared>>
    tpu.enqueue_indirect_dma source(%arg14 : memref<128xf32, #tpu.memory_space<vmem>>) target(%dma_start3A_164 : memref<10240xf32, #tpu.memory_space<vmem_shared>>) offsets(%dma_start3A_162 : memref<128xi32, #tpu.memory_space<vmem>>) semaphore(%arg16 : memref<!tpu.dma_semaphore, #tpu.memory_space<semaphore_mem>>) {add = true}
    %dma_wait3A_165 = arith.constant 159 : i32
    %dma_wait3A_166 = arith.constant 0 : i32
    %dma_wait3A_167 = tpu.memref_slice %arg11[%dma_wait3A_165, %dma_wait3A_166] : memref<160x128xi32, #tpu.memory_space<vmem>> -> memref<1x128xi32, #tpu.memory_space<vmem>>
    %dma_wait3A_168 = tpu.memref_squeeze %dma_wait3A_167 : memref<1x128xi32, #tpu.memory_space<vmem>> -> memref<128xi32, #tpu.memory_space<vmem>>
    %dma_wait3A_169 = arith.constant 0 : i32
    %dma_wait3A_170 = tpu.memref_slice %arg9[%dma_wait3A_169] : memref<10240xf32, #tpu.memory_space<vmem_shared>> -> memref<10240xf32, #tpu.memory_space<vmem_shared>>
    tpu.wait_indirect_dma semaphore(%arg16 : memref<!tpu.dma_semaphore, #tpu.memory_space<semaphore_mem>>) src(%arg14 : memref<128xf32, #tpu.memory_space<vmem>>) dst(%dma_wait3A_170 : memref<10240xf32, #tpu.memory_space<vmem_shared>>)
    %barrier3A_171 = arith.constant 0 : index
    tpu.barrier barrier_id(%barrier3A_171)
    %mul3A_172 = arith.constant 640 : i32
    %mul3A_173 = arith.muli %arg1, %mul3A_172 : i32
    "tpu.region"() ({
      %run_scoped3A = tpu.sem_alloc : memref<!tpu.dma_semaphore, #tpu.memory_space<semaphore_mem>>
      %dma_start3A_186 = arith.constant 0 : i32
      %dma_start3A_187 = tpu.memref_slice %arg10[%dma_start3A_186] : memref<10240xf32, #tpu.memory_space<vmem>> -> memref<640xf32, #tpu.memory_space<vmem>>
      %dma_start3A_188 = tpu.memref_slice %arg9[%mul3A_173] : memref<10240xf32, #tpu.memory_space<vmem_shared>> -> memref<640xf32, #tpu.memory_space<vmem_shared>>
      %dma_start3A_189 = arith.constant 0 : i32
      %dma_start3A_190 = tpu.memref_slice %arg10[%dma_start3A_189] : memref<10240xf32, #tpu.memory_space<vmem>> -> memref<640xf32, #tpu.memory_space<vmem>>
      %dma_start3A_191 = tpu.memref_slice %arg9[%mul3A_173] : memref<10240xf32, #tpu.memory_space<vmem_shared>> -> memref<640xf32, #tpu.memory_space<vmem_shared>>
      tpu.enqueue_dma source(%dma_start3A_191 : memref<640xf32, #tpu.memory_space<vmem_shared>>) target(%dma_start3A_190 : memref<640xf32, #tpu.memory_space<vmem>>) target_semaphore(%run_scoped3A : memref<!tpu.dma_semaphore, #tpu.memory_space<semaphore_mem>>)
      %dma_wait3A_192 = arith.constant 0 : i32
      %dma_wait3A_193 = tpu.memref_slice %arg10[%dma_wait3A_192] : memref<10240xf32, #tpu.memory_space<vmem>> -> memref<640xf32, #tpu.memory_space<vmem>>
      %dma_wait3A_194 = tpu.memref_slice %arg9[%mul3A_173] : memref<10240xf32, #tpu.memory_space<vmem_shared>> -> memref<640xf32, #tpu.memory_space<vmem_shared>>
      %dma_wait3A_195 = arith.constant 0 : i32
      %dma_wait3A_196 = tpu.memref_slice %arg10[%dma_wait3A_195] : memref<10240xf32, #tpu.memory_space<vmem>> -> memref<640xf32, #tpu.memory_space<vmem>>
      %dma_wait3A_197 = tpu.memref_slice %arg9[%mul3A_173] : memref<10240xf32, #tpu.memory_space<vmem_shared>> -> memref<640xf32, #tpu.memory_space<vmem_shared>>
      tpu.wait_dma2 semaphore(%run_scoped3A : memref<!tpu.dma_semaphore, #tpu.memory_space<semaphore_mem>>) src(%dma_wait3A_197 : memref<640xf32, #tpu.memory_space<vmem_shared>>) dst(%dma_wait3A_196 : memref<640xf32, #tpu.memory_space<vmem>>)
      tpu.yield
    }) : () -> ()
    %mul3A_174 = arith.constant 640 : i32
    %mul3A_175 = arith.muli %arg1, %mul3A_174 : i32
    "tpu.region"() ({
      %run_scoped3A = tpu.sem_alloc : memref<!tpu.dma_semaphore, #tpu.memory_space<semaphore_mem>>
      %dma_start3A_186 = arith.constant 640 : i32
      %dma_start3A_187 = tpu.memref_slice %arg10[%dma_start3A_186] : memref<10240xf32, #tpu.memory_space<vmem>> -> memref<640xf32, #tpu.memory_space<vmem>>
      %dma_start3A_188 = tpu.memref_slice %arg3[%mul3A_175] : memref<10240xf32, #tpu.memory_space<hbm>> -> memref<640xf32, #tpu.memory_space<hbm>>
      %dma_start3A_189 = arith.constant 640 : i32
      %dma_start3A_190 = tpu.memref_slice %arg10[%dma_start3A_189] : memref<10240xf32, #tpu.memory_space<vmem>> -> memref<640xf32, #tpu.memory_space<vmem>>
      %dma_start3A_191 = tpu.memref_slice %arg3[%mul3A_175] : memref<10240xf32, #tpu.memory_space<hbm>> -> memref<640xf32, #tpu.memory_space<hbm>>
      tpu.enqueue_dma source(%dma_start3A_191 : memref<640xf32, #tpu.memory_space<hbm>>) target(%dma_start3A_190 : memref<640xf32, #tpu.memory_space<vmem>>) target_semaphore(%run_scoped3A : memref<!tpu.dma_semaphore, #tpu.memory_space<semaphore_mem>>)
      %dma_wait3A_192 = arith.constant 640 : i32
      %dma_wait3A_193 = tpu.memref_slice %arg10[%dma_wait3A_192] : memref<10240xf32, #tpu.memory_space<vmem>> -> memref<640xf32, #tpu.memory_space<vmem>>
      %dma_wait3A_194 = tpu.memref_slice %arg3[%mul3A_175] : memref<10240xf32, #tpu.memory_space<hbm>> -> memref<640xf32, #tpu.memory_space<hbm>>
      %dma_wait3A_195 = arith.constant 640 : i32
      %dma_wait3A_196 = tpu.memref_slice %arg10[%dma_wait3A_195] : memref<10240xf32, #tpu.memory_space<vmem>> -> memref<640xf32, #tpu.memory_space<vmem>>
      %dma_wait3A_197 = tpu.memref_slice %arg3[%mul3A_175] : memref<10240xf32, #tpu.memory_space<hbm>> -> memref<640xf32, #tpu.memory_space<hbm>>
      tpu.wait_dma2 semaphore(%run_scoped3A : memref<!tpu.dma_semaphore, #tpu.memory_space<semaphore_mem>>) src(%dma_wait3A_197 : memref<640xf32, #tpu.memory_space<hbm>>) dst(%dma_wait3A_196 : memref<640xf32, #tpu.memory_space<vmem>>)
      tpu.yield
    }) : () -> ()
    %mul3A_176 = arith.constant 640 : i32
    %mul3A_177 = arith.muli %arg1, %mul3A_176 : i32
    "tpu.region"() ({
      %run_scoped3A = tpu.sem_alloc : memref<!tpu.dma_semaphore, #tpu.memory_space<semaphore_mem>>
      %dma_start3A_186 = arith.constant 1280 : i32
      %dma_start3A_187 = tpu.memref_slice %arg10[%dma_start3A_186] : memref<10240xf32, #tpu.memory_space<vmem>> -> memref<640xf32, #tpu.memory_space<vmem>>
      %dma_start3A_188 = tpu.memref_slice %arg4[%mul3A_177] : memref<10240xf32, #tpu.memory_space<hbm>> -> memref<640xf32, #tpu.memory_space<hbm>>
      %dma_start3A_189 = arith.constant 1280 : i32
      %dma_start3A_190 = tpu.memref_slice %arg10[%dma_start3A_189] : memref<10240xf32, #tpu.memory_space<vmem>> -> memref<640xf32, #tpu.memory_space<vmem>>
      %dma_start3A_191 = tpu.memref_slice %arg4[%mul3A_177] : memref<10240xf32, #tpu.memory_space<hbm>> -> memref<640xf32, #tpu.memory_space<hbm>>
      tpu.enqueue_dma source(%dma_start3A_191 : memref<640xf32, #tpu.memory_space<hbm>>) target(%dma_start3A_190 : memref<640xf32, #tpu.memory_space<vmem>>) target_semaphore(%run_scoped3A : memref<!tpu.dma_semaphore, #tpu.memory_space<semaphore_mem>>)
      %dma_wait3A_192 = arith.constant 1280 : i32
      %dma_wait3A_193 = tpu.memref_slice %arg10[%dma_wait3A_192] : memref<10240xf32, #tpu.memory_space<vmem>> -> memref<640xf32, #tpu.memory_space<vmem>>
      %dma_wait3A_194 = tpu.memref_slice %arg4[%mul3A_177] : memref<10240xf32, #tpu.memory_space<hbm>> -> memref<640xf32, #tpu.memory_space<hbm>>
      %dma_wait3A_195 = arith.constant 1280 : i32
      %dma_wait3A_196 = tpu.memref_slice %arg10[%dma_wait3A_195] : memref<10240xf32, #tpu.memory_space<vmem>> -> memref<640xf32, #tpu.memory_space<vmem>>
      %dma_wait3A_197 = tpu.memref_slice %arg4[%mul3A_177] : memref<10240xf32, #tpu.memory_space<hbm>> -> memref<640xf32, #tpu.memory_space<hbm>>
      tpu.wait_dma2 semaphore(%run_scoped3A : memref<!tpu.dma_semaphore, #tpu.memory_space<semaphore_mem>>) src(%dma_wait3A_197 : memref<640xf32, #tpu.memory_space<hbm>>) dst(%dma_wait3A_196 : memref<640xf32, #tpu.memory_space<vmem>>)
      tpu.yield
    }) : () -> ()
    %scan3A_178 = arith.constant 0 : i32
    %scan3A_179 = arith.constant 0 : i32
    %scan3A_180 = arith.constant 40 : i32
    %scan3A_181 = arith.addi %scan3A_179, %scan3A_180 : i32
    %scan3A_182 = arith.constant 1 : i32
    scf.for %scan3A_186 = %scan3A_179 to %scan3A_181 step %scan3A_182  : i32 {
      %mul3A_187 = arith.constant 16 : i32
      %mul3A_188 = arith.muli %scan3A_186, %mul3A_187 : i32
      %get3A_189 = arith.index_cast %mul3A_188 : i32 to index
      %get3A_190 = tpu.vector_load %arg10[%get3A_189] {strides = array<i32>} : memref<10240xf32, #tpu.memory_space<vmem>>, vector<16xf32>,
      %mul3A_191 = arith.constant 16 : i32
      %mul3A_192 = arith.muli %scan3A_186, %mul3A_191 : i32
      %add3A = arith.constant 640 : i32
      %add3A_193 = arith.addi %add3A, %mul3A_192 : i32
      %get3A_194 = arith.index_cast %add3A_193 : i32 to index
      %get3A_195 = tpu.vector_load %arg10[%get3A_194] {strides = array<i32>} : memref<10240xf32, #tpu.memory_space<vmem>>, vector<16xf32>,
      %mul3A_196 = arith.constant 16 : i32
      %mul3A_197 = arith.muli %scan3A_186, %mul3A_196 : i32
      %add3A_198 = arith.constant 1280 : i32
      %add3A_199 = arith.addi %add3A_198, %mul3A_197 : i32
      %get3A_200 = arith.index_cast %add3A_199 : i32 to index
      %get3A_201 = tpu.vector_load %arg10[%get3A_200] {strides = array<i32>} : memref<10240xf32, #tpu.memory_space<vmem>>, vector<16xf32>,
      %div3A = arith.divf %get3A_190, %get3A_201 : vector<16xf32>
      %add3A_202 = arith.addf %get3A_195, %div3A : vector<16xf32>
      %mul3A_203 = arith.constant 16 : i32
      %mul3A_204 = arith.muli %scan3A_186, %mul3A_203 : i32
      %swap3A_205 = arith.index_cast %mul3A_204 : i32 to index
      %swap3A_206 = tpu.vector_load %arg15[%swap3A_205] {strides = array<i32>} : memref<640xf32, #tpu.memory_space<vmem>>, vector<16xf32>,
      tpu.vector_store %arg15[%swap3A_205], %add3A_202 {strides = array<i32>} : memref<640xf32, #tpu.memory_space<vmem>>, vector<16xf32>,
    }
    %scan3A_183 = arith.constant 40 : i32
    %mul3A_184 = arith.constant 640 : i32
    %mul3A_185 = arith.muli %arg1, %mul3A_184 : i32
    "tpu.region"() ({
      %run_scoped3A = tpu.sem_alloc : memref<!tpu.dma_semaphore, #tpu.memory_space<semaphore_mem>>
      %dma_start3A_186 = tpu.memref_slice %arg8[%mul3A_185] : memref<10240xf32, #tpu.memory_space<hbm>> -> memref<640xf32, #tpu.memory_space<hbm>>
      %dma_start3A_187 = tpu.memref_slice %arg8[%mul3A_185] : memref<10240xf32, #tpu.memory_space<hbm>> -> memref<640xf32, #tpu.memory_space<hbm>>
      tpu.enqueue_dma source(%arg15 : memref<640xf32, #tpu.memory_space<vmem>>) target(%dma_start3A_187 : memref<640xf32, #tpu.memory_space<hbm>>) target_semaphore(%run_scoped3A : memref<!tpu.dma_semaphore, #tpu.memory_space<semaphore_mem>>)
      %dma_wait3A_188 = tpu.memref_slice %arg8[%mul3A_185] : memref<10240xf32, #tpu.memory_space<hbm>> -> memref<640xf32, #tpu.memory_space<hbm>>
      %dma_wait3A_189 = tpu.memref_slice %arg8[%mul3A_185] : memref<10240xf32, #tpu.memory_space<hbm>> -> memref<640xf32, #tpu.memory_space<hbm>>
      tpu.wait_dma2 semaphore(%run_scoped3A : memref<!tpu.dma_semaphore, #tpu.memory_space<semaphore_mem>>) src(%arg15 : memref<640xf32, #tpu.memory_space<vmem>>) dst(%dma_wait3A_189 : memref<640xf32, #tpu.memory_space<hbm>>)
      tpu.yield
    }) : () -> ()
    return
  }
}

module attributes {stable_mosaic.version = 14 : i64} {
  func.func @_matmul1_body(%arg0: memref<10240x128xf32, #tpu.memory_space<vmem>>, %arg1: memref<256x32xf32, #tpu.memory_space<vmem>>, %arg2: memref<1x32xf32, #tpu.memory_space<vmem>>, %arg3: memref<10240x32xf32, #tpu.memory_space<vmem>>, %arg4: memref<10240x32xf32, #tpu.memory_space<vmem>>) attributes {dimension_semantics = [], scalar_prefetch = 0 : i64, scratch_operands = 0 : i64, tpu.core_type = #tpu.core_type<tc>} {
    %get3A = arith.constant 0 : index
    %get3A_0 = arith.constant 0 : index
    %get3A_1 = vector.load %arg0[%get3A, %get3A_0] : memref<10240x128xf32, #tpu.memory_space<vmem>>, vector<10240x128xf32>
    %get3A_2 = arith.constant 0 : index
    %get3A_3 = arith.constant 0 : index
    %get3A_4 = vector.load %arg1[%get3A_2, %get3A_3] : memref<256x32xf32, #tpu.memory_space<vmem>>, vector<128x32xf32>
    %dot_general3A = arith.constant dense<0.000000e+00> : vector<10240x32xf32>
    %dot_general3A_5 = tpu.matmul %get3A_1, %get3A_4, %dot_general3A {dimension_numbers = #tpu.dot_dimension_numbers<[1], [0], [0], [1], [0, 0, 1, 1], [], []>, transpose_lhs_hint = false} : vector<10240x128xf32>, vector<128x32xf32>, vector<10240x32xf32> -> vector<10240x32xf32>
    %get3A_6 = arith.constant 0 : index
    %get3A_7 = arith.constant 0 : index
    %get3A_8 = vector.load %arg2[%get3A_6, %get3A_7] : memref<1x32xf32, #tpu.memory_space<vmem>>, vector<1x32xf32>
    %add3A = vector.broadcast %get3A_8 : vector<1x32xf32> to vector<10240x32xf32>
    %add3A_9 = arith.addf %dot_general3A_5, %add3A : vector<10240x32xf32>
    %swap3A = arith.constant 0 : index
    %swap3A_10 = arith.constant 0 : index
    %swap3A_11 = vector.load %arg3[%swap3A, %swap3A_10] : memref<10240x32xf32, #tpu.memory_space<vmem>>, vector<10240x32xf32>
    tpu.vector_store %arg3[%swap3A, %swap3A_10], %add3A_9 {strides = array<i32>} : memref<10240x32xf32, #tpu.memory_space<vmem>>, vector<10240x32xf32>,
    %get3A_12 = arith.constant 128 : index
    %get3A_13 = arith.constant 0 : index
    %get3A_14 = vector.load %arg1[%get3A_12, %get3A_13] : memref<256x32xf32, #tpu.memory_space<vmem>>, vector<128x32xf32>
    %dot_general3A_15 = arith.constant dense<0.000000e+00> : vector<10240x32xf32>
    %dot_general3A_16 = tpu.matmul %get3A_1, %get3A_14, %dot_general3A_15 {dimension_numbers = #tpu.dot_dimension_numbers<[1], [0], [0], [1], [0, 0, 1, 1], [], []>, transpose_lhs_hint = false} : vector<10240x128xf32>, vector<128x32xf32>, vector<10240x32xf32> -> vector<10240x32xf32>
    %swap3A_17 = arith.constant 0 : index
    %swap3A_18 = arith.constant 0 : index
    %swap3A_19 = vector.load %arg4[%swap3A_17, %swap3A_18] : memref<10240x32xf32, #tpu.memory_space<vmem>>, vector<10240x32xf32>
    tpu.vector_store %arg4[%swap3A_17, %swap3A_18], %dot_general3A_16 {strides = array<i32>} : memref<10240x32xf32, #tpu.memory_space<vmem>>, vector<10240x32xf32>,
    return
  }
}

module attributes {stable_mosaic.version = 14 : i64} {
  func.func @_mid_body(%arg0: memref<10240x32xf32, #tpu.memory_space<vmem>>, %arg1: memref<10240x32xf32, #tpu.memory_space<vmem>>, %arg2: memref<10240x32xf32, #tpu.memory_space<vmem>>, %arg3: memref<10240x1xf32, #tpu.memory_space<vmem>>, %arg4: memref<10240x1xf32, #tpu.memory_space<vmem>>, %arg5: memref<32x2xf32, #tpu.memory_space<vmem>>, %arg6: memref<1x2xf32, #tpu.memory_space<vmem>>, %arg7: memref<10240x1xf32, #tpu.memory_space<vmem>>, %arg8: memref<10240x1xf32, #tpu.memory_space<vmem>>, %arg9: memref<10240x1xf32, #tpu.memory_space<vmem>>) attributes {dimension_semantics = [], scalar_prefetch = 0 : i64, scratch_operands = 0 : i64, tpu.core_type = #tpu.core_type<tc>} {
    %get3A = arith.constant 0 : index
    %get3A_0 = arith.constant 0 : index
    %get3A_1 = vector.load %arg3[%get3A, %get3A_0] : memref<10240x1xf32, #tpu.memory_space<vmem>>, vector<10240x1xf32>
    %get3A_2 = arith.constant 0 : index
    %get3A_3 = arith.constant 0 : index
    %get3A_4 = vector.load %arg4[%get3A_2, %get3A_3] : memref<10240x1xf32, #tpu.memory_space<vmem>>, vector<10240x1xf32>
    %add3A = arith.addf %get3A_1, %get3A_4 : vector<10240x1xf32>
    %max3A = arith.constant 1.000000e+00 : f32
    %max3A_5 = vector.broadcast %max3A : f32 to vector<10240x1xf32>
    %max3A_6 = arith.maximumf %add3A, %max3A_5 : vector<10240x1xf32>
    %get3A_7 = arith.constant 0 : index
    %get3A_8 = arith.constant 0 : index
    %get3A_9 = vector.load %arg1[%get3A_7, %get3A_8] : memref<10240x32xf32, #tpu.memory_space<vmem>>, vector<10240x32xf32>
    %get3A_10 = arith.constant 0 : index
    %get3A_11 = arith.constant 0 : index
    %get3A_12 = vector.load %arg2[%get3A_10, %get3A_11] : memref<10240x32xf32, #tpu.memory_space<vmem>>, vector<10240x32xf32>
    %add3A_13 = arith.addf %get3A_9, %get3A_12 : vector<10240x32xf32>
    %div3A = vector.broadcast %max3A_6 : vector<10240x1xf32> to vector<10240x32xf32>
    %div3A_14 = arith.divf %add3A_13, %div3A : vector<10240x32xf32>
    %get3A_15 = arith.constant 0 : index
    %get3A_16 = arith.constant 0 : index
    %get3A_17 = vector.load %arg0[%get3A_15, %get3A_16] : memref<10240x32xf32, #tpu.memory_space<vmem>>, vector<10240x32xf32>
    %add3A_18 = arith.addf %get3A_17, %div3A_14 : vector<10240x32xf32>
    %max3A_19 = arith.constant 0.000000e+00 : f32
    %max3A_20 = vector.broadcast %max3A_19 : f32 to vector<10240x32xf32>
    %max3A_21 = arith.maximumf %add3A_18, %max3A_20 : vector<10240x32xf32>
    %get3A_22 = arith.constant 0 : index
    %get3A_23 = arith.constant 0 : index
    %get3A_24 = vector.load %arg5[%get3A_22, %get3A_23] : memref<32x2xf32, #tpu.memory_space<vmem>>, vector<32x2xf32>
    %dot_general3A = arith.constant dense<0.000000e+00> : vector<10240x2xf32>
    %dot_general3A_25 = tpu.matmul %max3A_21, %get3A_24, %dot_general3A {dimension_numbers = #tpu.dot_dimension_numbers<[1], [0], [0], [1], [0, 0, 1, 1], [], []>, transpose_lhs_hint = false} : vector<10240x32xf32>, vector<32x2xf32>, vector<10240x2xf32> -> vector<10240x2xf32>
    %get3A_26 = arith.constant 0 : index
    %get3A_27 = arith.constant 0 : index
    %get3A_28 = vector.load %arg6[%get3A_26, %get3A_27] : memref<1x2xf32, #tpu.memory_space<vmem>>, vector<1x2xf32>
    %add3A_29 = vector.broadcast %get3A_28 : vector<1x2xf32> to vector<10240x2xf32>
    %add3A_30 = arith.addf %dot_general3A_25, %add3A_29 : vector<10240x2xf32>
    %slice3A = vector.extract_strided_slice %add3A_30 {offsets = [0, 0], sizes = [10240, 1], strides = [1, 1]} : vector<10240x2xf32> to vector<10240x1xf32>
    %swap3A = arith.constant 0 : index
    %swap3A_31 = arith.constant 0 : index
    %swap3A_32 = vector.load %arg7[%swap3A, %swap3A_31] : memref<10240x1xf32, #tpu.memory_space<vmem>>, vector<10240x1xf32>
    tpu.vector_store %arg7[%swap3A, %swap3A_31], %slice3A {strides = array<i32>} : memref<10240x1xf32, #tpu.memory_space<vmem>>, vector<10240x1xf32>,
    %slice3A_33 = vector.extract_strided_slice %add3A_30 {offsets = [0, 1], sizes = [10240, 1], strides = [1, 1]} : vector<10240x2xf32> to vector<10240x1xf32>
    %swap3A_34 = arith.constant 0 : index
    %swap3A_35 = arith.constant 0 : index
    %swap3A_36 = vector.load %arg8[%swap3A_34, %swap3A_35] : memref<10240x1xf32, #tpu.memory_space<vmem>>, vector<10240x1xf32>
    tpu.vector_store %arg8[%swap3A_34, %swap3A_35], %slice3A_33 {strides = array<i32>} : memref<10240x1xf32, #tpu.memory_space<vmem>>, vector<10240x1xf32>,
    %swap3A_37 = arith.constant 0 : index
    %swap3A_38 = arith.constant 0 : index
    %swap3A_39 = vector.load %arg9[%swap3A_37, %swap3A_38] : memref<10240x1xf32, #tpu.memory_space<vmem>>, vector<10240x1xf32>
    tpu.vector_store %arg9[%swap3A_37, %swap3A_38], %max3A_6 {strides = array<i32>} : memref<10240x1xf32, #tpu.memory_space<vmem>>, vector<10240x1xf32>,
    return
  }
}

</mosaic_0001>

<sc_bundles>
// kernel: kernel.6.cloned.1.call-start
scs
__scs_entry_jumppad:
0x0: {  	(pc) =	sbr.rel $0x88, $3  }
0x1: {  	(tag) =	ssettag $0x0;
	lr =	simm.s32 $0x1  }
0x2: {  	[smem:$0x3F9B] =	sst lr;
	_ =	strace $0xD0000000  }
0x3: {  	_ = 	snop  }
0x4: {  	_ = 	snop  }
0x5: {  	_ = 	snop  }
0x6: {  	_ = 	snop  }
0x7: {  	_ = 	snop  }
__scs_overlays_trampoline_lowered:
0x8: {  	[smem:$0x3FAA] =	sst s0  }
0x9: {  	[smem:$0x3FAB] =	sst s1  }
0xa: {  	[smem:$0x3FAC] =	sst s2  }
0xb: {  	[smem:$0x3FAD] =	sst s3  }
0xc: {  	[smem:$0x3FAE] =	sst s4  }
0xd: {  	[smem:$0x3FAF] =	sst s5  }
0xe: {  	[smem:$0x3FB0] =	sst s6  }
0xf: {  	[smem:$0x3FB1] =	sst s7  }
0x10: {  	[smem:$0x3FB2] =	sst s8  }
0x11: {  	[smem:$0x3FB3] =	sst s9;
	s0 =	simm.s32 @!p0 $0x0  }
0x12: {  	s1 =	sld [smem:$0x3F99];
	s0 =	simm.s32 @p0 $0x1  }
0x13: {  	[smem:$0x3FB4] =	sst s0;
	s0 =	simm.s32 @!p1 $0x0  }
0x14: {  	s2 =	sld [smem:$0x3F98];
	s0 =	simm.s32 @p1 $0x1  }
0x15: {  	[smem:$0x3FB5] =	sst s0;
	s0 =	simm.s32 @!p2 $0x0  }
0x16: {  	s3 =	sld [smem:$0x3FDB];
	s0 =	simm.s32 @p2 $0x1  }
0x17: {  	s4 =	simm.s32 $0x1BF5;
	[smem:$0x3FB7] =	sst s0  }
0x18: {  	s0 =	sld [smem:$0x3F9A];
	_ =	swait.ge [sflag:s4], $0x0  }
0x19: {  	s7 =	sld [smem:$0x3F9B]  }
0x1a: {  	s8 =	sadd.s32 $0xFFFFE003, lr  }
0x1b: {  	s9 =	sadd.s32 $0xFFFFFEF7, lr;
	s5 =	simm.s32 $0xFFFFFFFF;
	p2 =	slt.u32 s8, $0xFFFFF086  }
0x1c: {  	p1 =	slt.u32 s9, $0xF7A;
	s5 =	simm.s32 @!p2 $0x0  }
0x1d: {  	s5 =	simm.s32 @p1 $0x1;
	p0 =	seq.s32 s7, s2  }
0x1e: {  	s7 =	smul.u32 @!p0 $0xF7A, s2;
	p2 =	seq.s32 @!p0 s5, $0x0  }
0x1f: {  	s9 =	smul.u32 $0xF7A, s1;
	s8 =	simm.s32 @!p0 $0x1BF5;
	p2 =	por !p2, p0  }
0x20: {  	[sflag:s8] =	ssyncset.s32 @!p0 $0xFFFFF086;
	s6 =	sadd.s32 @!p0 s3, s7;
	s7 =	simm.s32 @!p0 $0x108  }
0x21: {  	s3 =	sadd.s32 s3, s9;
	s6 =	sadd.s32 @!p0 $0x88, s6;
	s7 =	simm.s32 @p2 $0x1082  }
0x22: {  	[simem:s7], [sflag:s8] =	dma.local @!p0 [hbm:s6], $0xF7A  }
0x23: {  	s9 =	sor.u32 $0xD0000000, s2;
	s6 =	simm.s32 $0x108;
	_ =	swait.ge @!p0 [sflag:s8], $0x0  }
0x24: {  	s3 =	sadd.s32 $0x88, s3;
	s6 =	simm.s32 @!p1 $0x1082;
	[sflag:s4] =	ssyncset.s32 $0xFFFFF086  }
0x25: {  	[simem:s6], [sflag:s4] =	dma.local [hbm:s3], $0xF7A  }
0x26: {  	[smem:$0x3F9B] =	sst s1;
	(tag) =	ssettag s2;
	_ =	strace s9  }
0x27: {  	s1 =	sld [smem:$0x3FAB]  }
0x28: {  	s2 =	sld [smem:$0x3FAC]  }
0x29: {  	s4 =	sld [smem:$0x3FAE]  }
0x2a: {  	p0 =	seq.s32 s5, $0x0;
	s5 =	sld [smem:$0x3FAF]  }
0x2b: {  	s6 =	sld [smem:$0x3FB0]  }
0x2c: {  	s7 =	sld [smem:$0x3FB1]  }
0x2d: {  	s3 =	simm.s32 $0x108;
	s8 =	sld [smem:$0x3FB2]  }
0x2e: {  	s3 =	simm.s32 @!p0 $0x1082;
	s9 =	sld [smem:$0x3FB3]  }
0x2f: {  	lr =	sadd.s32 s0, s3;
	s0 =	sld [smem:$0x3FAA]  }
0x30: {  	s3 =	sld [smem:$0x3FAD]  }
0x31: {  	[smem:$0x3FB6] =	sst s10  }
0x32: {  	s10 =	sld [smem:$0x3FB4];
	_ =	sdelay $0x3  }
0x33: {  	p0 =	seq.s32 s10, $0x1;
	s10 =	sld [smem:$0x3FB6];
	_ =	sdelay $0x3  }
0x34: {  	[smem:$0x3FB6] =	sst s10  }
0x35: {  	s10 =	sld [smem:$0x3FB5];
	_ =	sdelay $0x3  }
0x36: {  	p1 =	seq.s32 s10, $0x1;
	s10 =	sld [smem:$0x3FB6];
	_ =	sdelay $0x3  }
0x37: {  	[smem:$0x3FB6] =	sst s10  }
0x38: {  	s10 =	sld [smem:$0x3FB7]  }
0x39: {  	_ = 	snop;
	(pc) =	sbr.ind lr, $3  }
0x3a: {  	_ = 	snop  }
0x3b: {  	_ = 	snop  }
0x3c: {  	p2 =	seq.s32 s10, $0x1;
	s10 =	sld [smem:$0x3FB6]  }
0x3d: {  	_ =	shalt  }
0x3e: {  	_ =	shalt  }
0x3f: {  	_ =	shalt  }
0x40: {  	_ =	shalt  }
0x41: {  	_ =	shalt  }
0x42: {  	_ =	shalt  }
0x43: {  	_ =	shalt  }
0x44: {  	_ =	shalt  }
0x45: {  	_ =	shalt  }
0x46: {  	_ =	shalt  }
0x47: {  	_ =	shalt  }
0x48: {  	_ =	shalt  }
0x49: {  	_ =	shalt  }
0x4a: {  	_ =	shalt  }
0x4b: {  	_ =	shalt  }
0x4c: {  	_ =	shalt  }
0x4d: {  	_ =	shalt  }
0x4e: {  	_ =	shalt  }
0x4f: {  	_ =	shalt  }
0x50: {  	_ =	shalt  }
0x51: {  	_ =	shalt  }
0x52: {  	_ =	shalt  }
0x53: {  	_ =	shalt  }
0x54: {  	_ =	shalt  }
0x55: {  	_ =	shalt  }
0x56: {  	_ =	shalt  }
0x57: {  	_ =	shalt  }
0x58: {  	_ =	shalt  }
0x59: {  	_ =	shalt  }
0x5a: {  	_ =	shalt  }
0x5b: {  	_ =	shalt  }
0x5c: {  	_ =	shalt  }
0x5d: {  	_ =	shalt  }
0x5e: {  	_ =	shalt  }
0x5f: {  	_ =	shalt  }
0x60: {  	_ =	shalt  }
0x61: {  	_ =	shalt  }
0x62: {  	_ =	shalt  }
0x63: {  	_ =	shalt  }
0x64: {  	_ =	shalt  }
0x65: {  	_ =	shalt  }
0x66: {  	_ =	shalt  }
0x67: {  	_ =	shalt  }
0x68: {  	_ =	shalt  }
0x69: {  	_ =	shalt  }
0x6a: {  	_ =	shalt  }
0x6b: {  	_ =	shalt  }
0x6c: {  	_ =	shalt  }
0x6d: {  	_ =	shalt  }
0x6e: {  	_ =	shalt  }
0x6f: {  	_ =	shalt  }
0x70: {  	_ =	shalt  }
0x71: {  	_ =	shalt  }
0x72: {  	_ =	shalt  }
0x73: {  	_ =	shalt  }
0x74: {  	_ =	shalt  }
0x75: {  	_ =	shalt  }
0x76: {  	_ =	shalt  }
0x77: {  	_ =	shalt  }
0x78: {  	_ =	shalt  }
0x79: {  	_ =	shalt  }
0x7a: {  	_ =	shalt  }
0x7b: {  	_ =	shalt  }
0x7c: {  	_ =	shalt  }
0x7d: {  	_ =	shalt  }
0x7e: {  	_ =	shalt  }
0x7f: {  	_ =	shalt  }
0x80: {  	_ =	shalt  }
0x81: {  	_ =	shalt  }
0x82: {  	_ =	shalt  }
0x83: {  	_ =	shalt  }
0x84: {  	_ =	shalt  }
0x85: {  	_ =	shalt  }
0x86: {  	_ =	shalt  }
0x87: {  	_ =	shalt  }
.Lfunc_end0:
.L_simem_size_0:
called_computation_lowered:
.L_overlay_start_0:
0x88: {  	s2 =	sld [smem:$0x3FD9]  }
0x89: {  	s3 =	sld [smem:$0x3FFE];
	_ =	sdelay $0x1  }
0x8a: {  	s1 =	srdreg.scid  }
0x8b: {  	s0 =	sand.u32 $0x1, s1  }
0x8c: {  	s16 =	sshll.u32 s0, $0xA;
	s2 =	sadd.s32 s3, s2  }
0x8d: {  	s2 =	sadd.s32 s2, s16  }
0x8e: {  	[smem:$0x3FC2] =	sst s2  }
0x8f: {  	_ = 	snop  }
0x90: {  	(tm) =	ssettm $0x1  }
0x91: {  	s17 =	sld [smem:$0x3FFB];
	_ =	sdelay $0x3  }
0x92: {  	_ =	strace s17  }
0x93: {  	s2 =	sld [smem:$0x3FFC];
	_ =	sdelay $0x3  }
0x94: {  	_ =	strace s2  }
0x95: {  	s2 =	sld [smem:$0x3FFD];
	_ =	sdelay $0x3  }
0x96: {  	_ =	strace s2  }
0x97: {  	_ =	strace $0x8FFFFFFF  }
0x98: {  	s18 =	sld [smem:$0x3FDB];
	_ =	sdelay $0x1  }
0x99: {  	s19 =	simm.s32 $_scs_section_size  }
0x9a: {  	s4 =	simm.s32 $_size__tile_overlayer_lowered;
	s5 =	simm.s32 $_tile_overlayer_lowered  }
0x9b: {  	s22 =	simm.s32 $0x1BFF;
	s21 =	sshll.u32 s5, $0x1;
	s2 =	sadd.s32 s19, s18  }
0x9c: {  	s6 =	simm.s32 $0x0;
	s20 =	sshll.u32 s4, $0x1;
	s4 =	sadd.s32 s21, s2  }
0x9d: {  	[timem:s6], [sflag:s22] =	dma.local [hbm:s4], s20  }
0x9e: {  	_ =	swait.ge [sflag:s22], s20  }
0x9f: {  	s3 =	ssub.s32 $0x0, s20;
	[sflag:s22] =	ssyncset.done $0x0  }
0xa0: {  	[sflag:s22] =	ssyncadd.s32 s3;
	_ =	sdelay $0x1  }
0xa1: {  	s23 =	simm.s32 $0x1B8B  }
0xa2: {  	_ =	swait.ge [sflag:s23], $0x1  }
0xa3: {  	[sflag:s23] =	ssyncset.done $0x0  }
0xa4: {  	s25 =	simm.s32 $0x1B8E;
	s24 =	sld [smem:$0x3FFE];
	[sflag:s23] =	ssyncadd.s32 $0xFFFFFFFF  }
0xa5: {  	s26 =	simm.s32 $execute0_lowered;
	[smem:$0x3FD2] =	sst s25  }
0xa6: {  	s4 =	sshll.u32 s26, $0x1;
	_ =	strace $0x80000046;
	[dreg:$0x1] =	wrdreg $0xFFFFFFFF  }
0xa7: {  	s28 =	simm.s32 $_size_execute0_lowered;
	s2 =	sadd.s32 s2, s4;
	[dreg:$0x0] =	wrdreg $0x0  }
0xa8: {  	s4 =	sshll.u32 s28, $0x1;
	[dreg:$0x2] =	wrdreg s2  }
0xa9: {  	[dreg:$0x3] =	wrdreg s4  }
0xaa: {  	[dreg:$0x4] =	wrdreg $0xC0  }
0xab: {  	_ =	task [dreg:s6], $0x5FFFF  }
0xac: {  	[dreg:$0x1] =	wrdreg $0xFFFFFFFF  }
0xad: {  	[dreg:$0x0] =	wrdreg $0x60  }
0xae: {  	[dreg:$0x2] =	wrdreg s24  }
0xaf: {  	[dreg:$0x3] =	wrdreg $0x0  }
0xb0: {  	[dreg:$0x4] =	wrdreg $0x50000  }
0xb1: {  	[dreg:$0x5] =	wrdreg $0x9  }
0xb2: {  	_ =	task.clear_ibuf [dreg:s6], $0x6FFFF;
	_ =	strace $0x90000046  }
0xb3: {  	s29 =	simm.s32 $0x9;
	_ =	strace $0x80000048  }
0xb4: {  	_ =	swait.ge [sflag:s29], $0x1  }
0xb5: {  	[sflag:s29] =	ssyncadd.s32 $0xFFFFFFFF  }
0xb6: {  	_ =	strace $0x90000048  }
0xb7: {  	_ =	sfence  }
0xb8: {  	s30 =	sld [smem:$0x0];
	_ =	sdelay $0x2  }
0xb9: {  	s31 =	sshll.u32 s1, $0xD;
	s1 =	sshrl.u32 s1, $0x2  }
0xba: {  	s3 =	sand.u32 $0x4000, s31;
	s1 =	sadd.s32 s1, s30  }
0xbb: {  	s0 =	sor.u32 s3, s0;
	s1 =	sshll.u32 s1, $0x11  }
0xbc: {  	s0 =	sor.u32 s1, s0  }
0xbd: {  	s0 =	sadd.s32 $0x8F2B, s0  }
0xbe: {  	[sflag:s0] =	ssyncadd.remote.s32 $0x1  }
0xbf: {  	_ =	sfence.sel $0xFFFF  }
0xc0: {  	[dreg:$0x0] =	wrdreg $0xFFFFFFFF;
	(pc) =	sbr.abs _section_cstart, $3  }
0xc1: {  	[dreg:$0x1] =	wrdreg $0xFFFFFFFF  }
0xc2: {  	_ =	task.clear_ibuf [dreg:s6], $0x2FFFF;
	_ =	strace $0x9FFFFFFF  }
0xc3: {  	(tm) =	ssettm $0x7FFFFFFF  }
tec
execute0_lowered:
.L_overlay_start_1:
0x0: {  	(tag) =	ssettag $0x1  }
0x1: {  	s0 =	rddreg [dreg:$0x0]  }
0x2: {  	s1 =	srdreg.scid;
	s2 =	rddreg [dreg:$0x1]  }
0x3: {  	s13 =	stileid.u32;
	s3 =	rddreg [dreg:$0x2];
	s5 =	simm.s32 $0x0  }
0x4: {  	s17 =	simm.s32 $0x5280;
	s19 =	simm.s32 $0xD;
	s20 =	simm.s32 $0x80  }
0x5: {  	s21 =	simm.s32 $0xA280;
	s28 =	simm.s32 $0xC280;
	s29 =	simm.s32 $0x2  }
0x6: {  	s22 =	simm.s32 $0x5;
	s31 =	simm.s32 $0x4;
	s14 =	simm.s32 $0xE  }
0x7: {  	s1 =	sand.u32 $0x1, s1;
	s4 =	sshll.u32 s13, $0x1;
	s6 =	smul.u32 $0x5000, s13  }
0x8: {  	[smem:$0x7FF] =	sst s5;
	s7 =	smul.u32 $0x280, s13;
	s5 =	sadd.s32 $0x600, s0  }
0x9: {  	s23 =	sshll.u32 s13, $0x6;
	s4 =	sor.u32 s1, s4;
	_ =	strace $0x80000047  }
0xa: {  	s9 =	smul.u32 $0x2800, s1;
	s1 =	ssub.s32 $0x2, s1;
	[dreg:$0x5] =	wrdreg s23  }
0xb: {  	s4 =	smul.u32 $0x500, s4;
	s8 =	sshrl.u32 s6, $0x3;
	s10 =	sshrl.u32 s7, $0x3  }
0xc: {  	s12 =	sshrl.u32 s1, $0x1;
	s6 =	sadd.s32 s6, s2;
	s8 =	sadd.s32 s8, s0  }
0xd: {  	s10 =	sadd.s32 s10, s0;
	s9 =	sadd.s32 s7, s9;
	s1 =	ssub.s32 s1, s12  }
0xe: {  	s7 =	sadd.s32 s7, s3;
	s15 =	sshrl.u32 s6, $0x3;
	s6 =	simm.s32 $0xA  }
0xf: {  	s12 =	simm.s32 $0xC;
	s4 =	sadd.s32 s4, s0;
	s11 =	sshll.u32 s9, $0x2  }
0x10: {  	s9 =	sshrl.u32 s9, $0x3;
	s8 =	sadd.s32 $0x1EC00, s8;
	s24 =	sadd.s32 $0x1E600, s10  }
0x11: {  	s30 =	smax.u32 s1, $0x1;
	s16 =	sshrl.u32 s7, $0x3;
	s1 =	simm.s32 $0xD280  }
0x12: {  	s10 =	simm.s32 $0xB;
	s7 =	simm.s32 $0x0;
	[dreg:$0x4] =	wrdreg s8  }
0x13: {  	s11 =	sadd.s32 s11, s0;
	s0 =	sadd.s32 s9, s0;
	[dreg:$0x6] =	wrdreg s24  }
0x14: {  	s8 =	sor.u32 $0x1C0D, s23;
	s25 =	sadd.s32 $0xA600, s4;
	[dreg:$0xb] =	wrdreg s30  }
0x15: {  	s4 =	sadd.s32 $0x14600, s4;
	s23 =	simm.s32 $0xB280;
	[dreg:$0x7] =	wrdreg s25  }
0x16: {  	s24 =	simm.s32 $0x1;
	s9 =	simm.s32 $0x7;
	[dreg:$0x8] =	wrdreg s4  }
0x17: {  	s26 =	sadd.s32 $0x29600, s11;
	s0 =	sadd.s32 $0x28C00, s0;
	s25 =	simm.s32 $0xE280  }
0x18: {  	s4 =	simm.s32 $0x6;
	s11 =	simm.s32 $0x8;
	[dreg:$0x9] =	wrdreg s26  }
0x19: {  	v0 =	vimm.f32 $1.000000000e+00;
	[dreg:$0xa] =	wrdreg s0;
	s0 =	simm.s32 $0x3;
	s26 =	simm.s32 $0x9  }
.LBB2_1:
0x1a: {  	s13 =	rddreg [dreg:$0x4]  }
0x1b: {  	[spmem:s15], [sflag:s8] =	dma.local [hbm:s13], $0xA00  }
0x1c: {  	s13 =	rddreg [dreg:$0x6]  }
0x1d: {  	[spmem:s16], [sflag:s8] =	dma.local [hbm:s13], $0x50  }
0x1e: {  	s13 =	simm.s32 $0x0;
	s18 =	rddreg [dreg:$0x7]  }
0x1f: {  	[tilespmem:s17], [sflag:$0xD] =	stream.linear.gather [hbm4b:s18+s13], $0x2800, $0x38;
	[tilespmem:$0xE300] =	vst v63  }
0x20: {  	s30 =	simm.s32 $0x7A80;
	s18 =	rddreg [dreg:$0x8]  }
0x21: {  	[tilespmem:s30], [sflag:$0xD] =	stream.linear.gather [hbm4b:s18+s13], $0x2800, $0x38;
	[tilespmem:$0xE300] =	vst v63  }
0x22: {  	[tilespmem:$0xE280] =	vst v0  }
0x23: {  	[tilespmem:$0xE290] =	vst v0  }
0x24: {  	[tilespmem:$0xE2A0] =	vst v0  }
0x25: {  	[tilespmem:$0xE2B0] =	vst v0  }
0x26: {  	[tilespmem:$0xE2C0] =	vst v0  }
0x27: {  	[tilespmem:$0xE2D0] =	vst v0  }
0x28: {  	[tilespmem:$0xE2E0] =	vst v0  }
0x29: {  	[tilespmem:$0xE2F0] =	vst v0  }
0x2a: {  	_ =	swait.ge [sflag:s19], $0xA00  }
0x2b: {  	[sflag:s19] =	ssyncset.done $0x0  }
0x2c: {  	[sflag:s19] =	ssyncadd.s32 $0xFFFFF600  }
0x2d: {  	_ =	swait.ge [sflag:s19], $0x50  }
0x2e: {  	[sflag:s19] =	ssyncset.done $0x0  }
0x2f: {  	[sflag:s19] =	ssyncadd.s32 $0xFFFFFFB0  }
0x30: {  	_ =	swait.ge [sflag:s19], $0x2800  }
0x31: {  	[sflag:s19] =	ssyncset.done $0x0  }
0x32: {  	[sflag:s19] =	ssyncadd.s32 $0xFFFFD800  }
0x33: {  	_ =	swait.ge [sflag:s19], $0x2800  }
0x34: {  	[sflag:s19] =	ssyncset.done $0x0  }
0x35: {  	[sflag:s19] =	ssyncadd.s32 $0xFFFFD800  }
0x36: {  	[bflag:$0x0] =	sbarrier.arrive $0xFFFF  }
0x37: {  	[tilespmem:s21], [sflag:$0x1] =	stream.indirect.gather [hbm4b:s5+s20], $0x20, s30, s20, $0xb8;
	[tilespmem:$0xE300] =	vst v63  }
0x38: {  	s18 =	simm.s32 $0x7B00  }
0x39: {  	[tilespmem:s23], [sflag:$0x2] =	stream.indirect.gather [hbm4b:s5+s20], $0x20, s18, s20, $0xb8;
	[tilespmem:$0xE300] =	vst v63  }
0x3a: {  	_ =	swait.ge [sflag:s24], $0x1000  }
0x3b: {  	[sflag:s24] =	ssyncset.done $0x0  }
0x3c: {  	[sflag:s24] =	ssyncadd.s32 $0xFFFFF000  }
0x3d: {  	[spmem:s2] =	stream.indirect.scatter.add.f32 [tilespmem:s21], [sflag:$0x5], $0x20, s17, s20, $0xb8;
	[tilespmem:$0xE300] =	vst v63  }
0x3e: {  	_ = 	snop  }
0x3f: {  	[spmem:s3] =	stream.indirect.scatter.add.f32 [tilespmem:s25], [sflag:$0x9], $0x1, s17, s20, $0xb8;
	[tilespmem:$0xE300] =	vst v63  }
0x40: {  	s18 =	simm.s32 $0x7B80  }
0x41: {  	[tilespmem:s28], [sflag:$0x3] =	stream.indirect.gather [hbm4b:s5+s20], $0x20, s18, s20, $0xb8;
	[tilespmem:$0xE300] =	vst v63  }
0x42: {  	_ =	swait.ge [sflag:s29], $0x1000  }
0x43: {  	[sflag:s29] =	ssyncset.done $0x0  }
0x44: {  	s18 =	simm.s32 $0x5300;
	[sflag:s29] =	ssyncadd.s32 $0xFFFFF000  }
0x45: {  	[spmem:s2] =	stream.indirect.scatter.add.f32 [tilespmem:s23], [sflag:$0x6], $0x20, s18, s20, $0xb8;
	[tilespmem:$0xE300] =	vst v63  }
0x46: {  	_ = 	snop  }
0x47: {  	[spmem:s3] =	stream.indirect.scatter.add.f32 [tilespmem:s25], [sflag:$0xA], $0x1, s18, s20, $0xb8;
	[tilespmem:$0xE300] =	vst v63  }
0x48: {  	s18 =	simm.s32 $0x7C00  }
0x49: {  	[tilespmem:s1], [sflag:$0x4] =	stream.indirect.gather [hbm4b:s5+s20], $0x20, s18, s20, $0xb8;
	[tilespmem:$0xE300] =	vst v63  }
0x4a: {  	_ =	swait.ge [sflag:s0], $0x1000  }
0x4b: {  	[sflag:s0] =	ssyncset.done $0x0  }
0x4c: {  	s18 =	simm.s32 $0x5380;
	[sflag:s0] =	ssyncadd.s32 $0xFFFFF000  }
0x4d: {  	[spmem:s2] =	stream.indirect.scatter.add.f32 [tilespmem:s28], [sflag:$0x7], $0x20, s18, s20, $0xb8;
	[tilespmem:$0xE300] =	vst v63  }
0x4e: {  	_ = 	snop  }
0x4f: {  	[spmem:s3] =	stream.indirect.scatter.add.f32 [tilespmem:s25], [sflag:$0xB], $0x1, s18, s20, $0xb8;
	[tilespmem:$0xE300] =	vst v63  }
0x50: {  	_ =	swait.ge [sflag:s22], $0x1000  }
0x51: {  	[sflag:s22] =	ssyncset.done $0x0  }
0x52: {  	[sflag:s22] =	ssyncadd.s32 $0xFFFFF000  }
0x53: {  	_ =	swait.ge [sflag:s26], $0x80  }
0x54: {  	[sflag:s26] =	ssyncset.done $0x0  }
0x55: {  	s18 =	simm.s32 $0x7C80;
	[sflag:s26] =	ssyncadd.s32 $0xFFFFFF80  }
0x56: {  	[tilespmem:s21], [sflag:$0x1] =	stream.indirect.gather [hbm4b:s5+s20], $0x20, s18, s20, $0xb8;
	[tilespmem:$0xE300] =	vst v63  }
0x57: {  	_ =	swait.ge [sflag:s31], $0x1000  }
0x58: {  	[sflag:s31] =	ssyncset.done $0x0  }
0x59: {  	s18 =	simm.s32 $0x5400;
	[sflag:s31] =	ssyncadd.s32 $0xFFFFF000  }
0x5a: {  	[spmem:s2] =	stream.indirect.scatter.add.f32 [tilespmem:s1], [sflag:$0x8], $0x20, s18, s20, $0xb8;
	[tilespmem:$0xE300] =	vst v63  }
0x5b: {  	_ = 	snop  }
0x5c: {  	[spmem:s3] =	stream.indirect.scatter.add.f32 [tilespmem:s25], [sflag:$0xC], $0x1, s18, s20, $0xb8;
	[tilespmem:$0xE300] =	vst v63  }
0x5d: {  	_ =	swait.ge [sflag:s4], $0x1000  }
0x5e: {  	[sflag:s4] =	ssyncset.done $0x0  }
0x5f: {  	[sflag:s4] =	ssyncadd.s32 $0xFFFFF000  }
0x60: {  	_ =	swait.ge [sflag:s6], $0x80  }
0x61: {  	[sflag:s6] =	ssyncset.done $0x0  }
0x62: {  	s18 =	simm.s32 $0x7D00;
	[sflag:s6] =	ssyncadd.s32 $0xFFFFFF80  }
0x63: {  	[tilespmem:s23], [sflag:$0x2] =	stream.indirect.gather [hbm4b:s5+s20], $0x20, s18, s20, $0xb8;
	[tilespmem:$0xE300] =	vst v63  }
0x64: {  	_ =	swait.ge [sflag:s24], $0x1000  }
0x65: {  	[sflag:s24] =	ssyncset.done $0x0  }
0x66: {  	s18 =	simm.s32 $0x5480;
	[sflag:s24] =	ssyncadd.s32 $0xFFFFF000  }
0x67: {  	[spmem:s2] =	stream.indirect.scatter.add.f32 [tilespmem:s21], [sflag:$0x5], $0x20, s18, s20, $0xb8;
	[tilespmem:$0xE300] =	vst v63  }
0x68: {  	_ = 	snop  }
0x69: {  	[spmem:s3] =	stream.indirect.scatter.add.f32 [tilespmem:s25], [sflag:$0x9], $0x1, s18, s20, $0xb8;
	[tilespmem:$0xE300] =	vst v63  }
0x6a: {  	_ =	swait.ge [sflag:s9], $0x1000  }
0x6b: {  	[sflag:s9] =	ssyncset.done $0x0  }
0x6c: {  	[sflag:s9] =	ssyncadd.s32 $0xFFFFF000  }
0x6d: {  	_ =	swait.ge [sflag:s10], $0x80  }
0x6e: {  	[sflag:s10] =	ssyncset.done $0x0  }
0x6f: {  	s18 =	simm.s32 $0x7D80;
	[sflag:s10] =	ssyncadd.s32 $0xFFFFFF80  }
0x70: {  	[tilespmem:s28], [sflag:$0x3] =	stream.indirect.gather [hbm4b:s5+s20], $0x20, s18, s20, $0xb8;
	[tilespmem:$0xE300] =	vst v63  }
0x71: {  	_ =	swait.ge [sflag:s29], $0x1000  }
0x72: {  	[sflag:s29] =	ssyncset.done $0x0  }
0x73: {  	s18 =	simm.s32 $0x5500;
	[sflag:s29] =	ssyncadd.s32 $0xFFFFF000  }
0x74: {  	[spmem:s2] =	stream.indirect.scatter.add.f32 [tilespmem:s23], [sflag:$0x6], $0x20, s18, s20, $0xb8;
	[tilespmem:$0xE300] =	vst v63  }
0x75: {  	_ = 	snop  }
0x76: {  	[spmem:s3] =	stream.indirect.scatter.add.f32 [tilespmem:s25], [sflag:$0xA], $0x1, s18, s20, $0xb8;
	[tilespmem:$0xE300] =	vst v63  }
0x77: {  	_ =	swait.ge [sflag:s11], $0x1000  }
0x78: {  	[sflag:s11] =	ssyncset.done $0x0  }
0x79: {  	[sflag:s11] =	ssyncadd.s32 $0xFFFFF000  }
0x7a: {  	_ =	swait.ge [sflag:s12], $0x80  }
0x7b: {  	[sflag:s12] =	ssyncset.done $0x0  }
0x7c: {  	s13 =	simm.s32 $0x7E00;
	s30 =	simm.s32 $0x800;
	[sflag:s12] =	ssyncadd.s32 $0xFFFFFF80  }
.LBB2_2:
0x7d: {  	[tilespmem:s1], [sflag:$0x4] =	stream.indirect.gather [hbm4b:s5+s20], $0x20, s13, s20, $0xb8;
	[tilespmem:$0xE300] =	vst v63  }
0x7e: {  	s13 =	smov.u32 s30  }
0x7f: {  	p0 =	sne.s32 s30, $0x9000;
	s30 =	sadd.s32 $0x800, s30;
	_ =	swait.ge [sflag:s0], $0x1000  }
0x80: {  	s13 =	sshra.s32 s13, $0x2;
	[sflag:s0] =	ssyncset.done $0x0  }
0x81: {  	s18 =	sadd.s32 $0x5380, s13;
	[sflag:s0] =	ssyncadd.s32 $0xFFFFF000  }
0x82: {  	[spmem:s2] =	stream.indirect.scatter.add.f32 [tilespmem:s28], [sflag:$0x7], $0x20, s18, s20, $0xb8;
	[tilespmem:$0xE300] =	vst v63  }
0x83: {  	_ = 	snop  }
0x84: {  	[spmem:s3] =	stream.indirect.scatter.add.f32 [tilespmem:s25], [sflag:$0xB], $0x1, s18, s20, $0xb8;
	[tilespmem:$0xE300] =	vst v63  }
0x85: {  	_ =	swait.ge [sflag:s22], $0x1000  }
0x86: {  	[sflag:s22] =	ssyncset.done $0x0  }
0x87: {  	[sflag:s22] =	ssyncadd.s32 $0xFFFFF000  }
0x88: {  	_ =	swait.ge [sflag:s26], $0x80  }
0x89: {  	[sflag:s26] =	ssyncset.done $0x0  }
0x8a: {  	s18 =	sadd.s32 $0x7C80, s13;
	[sflag:s26] =	ssyncadd.s32 $0xFFFFFF80  }
0x8b: {  	[tilespmem:s21], [sflag:$0x1] =	stream.indirect.gather [hbm4b:s5+s20], $0x20, s18, s20, $0xb8;
	[tilespmem:$0xE300] =	vst v63  }
0x8c: {  	_ =	swait.ge [sflag:s31], $0x1000  }
0x8d: {  	[sflag:s31] =	ssyncset.done $0x0  }
0x8e: {  	s18 =	sadd.s32 $0x5400, s13;
	[sflag:s31] =	ssyncadd.s32 $0xFFFFF000  }
0x8f: {  	[spmem:s2] =	stream.indirect.scatter.add.f32 [tilespmem:s1], [sflag:$0x8], $0x20, s18, s20, $0xb8;
	[tilespmem:$0xE300] =	vst v63  }
0x90: {  	_ = 	snop  }
0x91: {  	[spmem:s3] =	stream.indirect.scatter.add.f32 [tilespmem:s25], [sflag:$0xC], $0x1, s18, s20, $0xb8;
	[tilespmem:$0xE300] =	vst v63  }
0x92: {  	_ =	swait.ge [sflag:s4], $0x1000  }
0x93: {  	[sflag:s4] =	ssyncset.done $0x0  }
0x94: {  	[sflag:s4] =	ssyncadd.s32 $0xFFFFF000  }
0x95: {  	_ =	swait.ge [sflag:s6], $0x80  }
0x96: {  	[sflag:s6] =	ssyncset.done $0x0  }
0x97: {  	s18 =	sadd.s32 $0x7D00, s13;
	[sflag:s6] =	ssyncadd.s32 $0xFFFFFF80  }
0x98: {  	[tilespmem:s23], [sflag:$0x2] =	stream.indirect.gather [hbm4b:s5+s20], $0x20, s18, s20, $0xb8;
	[tilespmem:$0xE300] =	vst v63  }
0x99: {  	_ =	swait.ge [sflag:s24], $0x1000  }
0x9a: {  	[sflag:s24] =	ssyncset.done $0x0  }
0x9b: {  	s18 =	sadd.s32 $0x5480, s13;
	[sflag:s24] =	ssyncadd.s32 $0xFFFFF000  }
0x9c: {  	[spmem:s2] =	stream.indirect.scatter.add.f32 [tilespmem:s21], [sflag:$0x5], $0x20, s18, s20, $0xb8;
	[tilespmem:$0xE300] =	vst v63  }
0x9d: {  	_ = 	snop  }
0x9e: {  	[spmem:s3] =	stream.indirect.scatter.add.f32 [tilespmem:s25], [sflag:$0x9], $0x1, s18, s20, $0xb8;
	[tilespmem:$0xE300] =	vst v63  }
0x9f: {  	_ =	swait.ge [sflag:s9], $0x1000  }
0xa0: {  	[sflag:s9] =	ssyncset.done $0x0  }
0xa1: {  	[sflag:s9] =	ssyncadd.s32 $0xFFFFF000  }
0xa2: {  	_ =	swait.ge [sflag:s10], $0x80  }
0xa3: {  	[sflag:s10] =	ssyncset.done $0x0  }
0xa4: {  	s18 =	sadd.s32 $0x7D80, s13;
	[sflag:s10] =	ssyncadd.s32 $0xFFFFFF80  }
0xa5: {  	[tilespmem:s28], [sflag:$0x3] =	stream.indirect.gather [hbm4b:s5+s20], $0x20, s18, s20, $0xb8;
	[tilespmem:$0xE300] =	vst v63  }
0xa6: {  	_ =	swait.ge [sflag:s29], $0x1000  }
0xa7: {  	[sflag:s29] =	ssyncset.done $0x0  }
0xa8: {  	s18 =	sadd.s32 $0x5500, s13;
	[sflag:s29] =	ssyncadd.s32 $0xFFFFF000  }
0xa9: {  	[spmem:s2] =	stream.indirect.scatter.add.f32 [tilespmem:s23], [sflag:$0x6], $0x20, s18, s20, $0xb8;
	[tilespmem:$0xE300] =	vst v63  }
0xaa: {  	_ = 	snop  }
0xab: {  	[spmem:s3] =	stream.indirect.scatter.add.f32 [tilespmem:s25], [sflag:$0xA], $0x1, s18, s20, $0xb8;
	[tilespmem:$0xE300] =	vst v63  }
0xac: {  	_ =	swait.ge [sflag:s11], $0x1000  }
.Ltmp0:
0xad: {  	[sflag:s11] =	ssyncset.done $0x0;
	(pc) =	sbr.rel @p0 .LBB2_2-.Ltmp0, $4  }
0xae: {  	[sflag:s11] =	ssyncadd.s32 $0xFFFFF000  }
0xaf: {  	_ =	swait.ge [sflag:s12], $0x80  }
0xb0: {  	[sflag:s12] =	ssyncset.done $0x0  }
0xb1: {  	s13 =	sadd.s32 $0x7E00, s13;
	[sflag:s12] =	ssyncadd.s32 $0xFFFFFF80  }
0xb2: {  	[tilespmem:s1], [sflag:$0x4] =	stream.indirect.gather [hbm4b:s5+s20], $0x20, s13, s20, $0xb8;
	[tilespmem:$0xE300] =	vst v63  }
0xb3: {  	_ =	swait.ge [sflag:s0], $0x1000  }
0xb4: {  	[sflag:s0] =	ssyncset.done $0x0  }
0xb5: {  	s18 =	simm.s32 $0x7980;
	[sflag:s0] =	ssyncadd.s32 $0xFFFFF000  }
0xb6: {  	[spmem:s2] =	stream.indirect.scatter.add.f32 [tilespmem:s28], [sflag:$0x7], $0x20, s18, s20, $0xb8;
	[tilespmem:$0xE300] =	vst v63  }
0xb7: {  	_ = 	snop  }
0xb8: {  	[spmem:s3] =	stream.indirect.scatter.add.f32 [tilespmem:s25], [sflag:$0xB], $0x1, s18, s20, $0xb8;
	[tilespmem:$0xE300] =	vst v63  }
0xb9: {  	_ =	swait.ge [sflag:s22], $0x1000  }
0xba: {  	[sflag:s22] =	ssyncset.done $0x0  }
0xbb: {  	[sflag:s22] =	ssyncadd.s32 $0xFFFFF000  }
0xbc: {  	_ =	swait.ge [sflag:s26], $0x80  }
0xbd: {  	[sflag:s26] =	ssyncset.done $0x0  }
0xbe: {  	[sflag:s26] =	ssyncadd.s32 $0xFFFFFF80  }
0xbf: {  	_ =	swait.ge [sflag:s31], $0x1000  }
0xc0: {  	[sflag:s31] =	ssyncset.done $0x0  }
0xc1: {  	s30 =	simm.s32 $0x7A00;
	[sflag:s31] =	ssyncadd.s32 $0xFFFFF000  }
0xc2: {  	[spmem:s2] =	stream.indirect.scatter.add.f32 [tilespmem:s1], [sflag:$0x8], $0x20, s30, s20, $0xb8;
	[tilespmem:$0xE300] =	vst v63  }
0xc3: {  	_ = 	snop  }
0xc4: {  	[spmem:s3] =	stream.indirect.scatter.add.f32 [tilespmem:s25], [sflag:$0xC], $0x1, s30, s20, $0xb8;
	[tilespmem:$0xE300] =	vst v63  }
0xc5: {  	_ =	swait.ge [sflag:s4], $0x1000  }
0xc6: {  	[sflag:s4] =	ssyncset.done $0x0  }
0xc7: {  	[sflag:s4] =	ssyncadd.s32 $0xFFFFF000  }
0xc8: {  	_ =	swait.ge [sflag:s6], $0x80  }
0xc9: {  	[sflag:s6] =	ssyncset.done $0x0  }
0xca: {  	[sflag:s6] =	ssyncadd.s32 $0xFFFFFF80  }
0xcb: {  	_ =	swait.ge [sflag:s9], $0x1000  }
0xcc: {  	[sflag:s9] =	ssyncset.done $0x0  }
0xcd: {  	[sflag:s9] =	ssyncadd.s32 $0xFFFFF000  }
0xce: {  	_ =	swait.ge [sflag:s10], $0x80  }
0xcf: {  	[sflag:s10] =	ssyncset.done $0x0  }
0xd0: {  	[sflag:s10] =	ssyncadd.s32 $0xFFFFFF80  }
0xd1: {  	_ =	swait.ge [sflag:s11], $0x1000  }
0xd2: {  	[sflag:s11] =	ssyncset.done $0x0  }
0xd3: {  	[sflag:s11] =	ssyncadd.s32 $0xFFFFF000  }
0xd4: {  	_ =	swait.ge [sflag:s12], $0x80  }
0xd5: {  	[sflag:s12] =	ssyncset.done $0x0  }
0xd6: {  	[sflag:s12] =	ssyncadd.s32 $0xFFFFFF80  }
0xd7: {  	[bflag:$0x0] =	sbarrier.arrive $0xFFFF  }
0xd8: {  	s18 =	rddreg [dreg:$0x5]  }
0xd9: {  	s13 =	sor.u32 $0x1C0E, s18;
	s18 =	rddreg [dreg:$0x9]  }
0xda: {  	[hbm:s18], [sflag:s13] =	dma.local [spmem:s15], $0xA00  }
0xdb: {  	_ =	swait.ge [sflag:s14], $0xA00  }
0xdc: {  	[sflag:s14] =	ssyncset.done $0x0  }
0xdd: {  	s30 =	rddreg [dreg:$0xa];
	[sflag:s14] =	ssyncadd.s32 $0xFFFFF600  }
0xde: {  	[hbm:s30], [sflag:s13] =	dma.local [spmem:s16], $0x50  }
0xdf: {  	_ =	swait.ge [sflag:s14], $0x50  }
0xe0: {  	s7 =	sadd.s32 $0x1, s7;
	s30 =	rddreg [dreg:$0xb]  }
0xe1: {  	p0 =	sne.s32 s7, s30  }
.Ltmp1:
0xe2: {  	_ = 	snop;
	(pc) =	sbr.rel @p0 .LBB2_1-.Ltmp1, $3  }
0xe3: {  	_ =	sdelay $0x1  }
0xe4: {  	[sflag:s14] =	ssyncset.done $0x0  }
0xe5: {  	[sflag:s14] =	ssyncadd.s32 $0xFFFFFFB0  }
0xe6: {  	_ =	sfence.sel $0x180000  }
0xe7: {  	[bflag:$0x0] =	sbarrier.arrive $0xFFFF  }
0xe8: {  	_ =	strace $0x90000047  }
0xe9: {  	s0 =	stileid.u32;
	[bflag:$0x2] =	sbarrier.arrive $0xFFFF  }
0xea: {  	p0 =	sne.s32 s0, $0x0;
	s0 =	rddreg [dreg:$0x3]  }
0xeb: {  	s0 =	sadd.s32 @!p0 $0x100000, s0  }
0xec: {  	[sflag:s0] =	ssyncadd.tile.s32 @!p0 $0x1;
	_ =	shalt  }
.Lfunc_end2:
_tile_overlayer_lowered:
.L_overlay_start_2:
0xed: {  	(tag) =	ssettag $0x2  }
0xee: {  	s0 =	rddreg [dreg:$0x0];
	s2 =	stileid.u32  }
0xef: {  	s1 =	rddreg [dreg:$0x1];
	p0 =	sne.s32 s2, $0x0  }
0xf0: {  	s3 =	rddreg [dreg:$0x2];
	[bflag:$0x3] =	sbarrier.arrive $0xFFFF;
	s2 =	simm.s32 @!p0 $0x1C0E  }
0xf1: {  	[timem:s3], [sflag:s2] =	dma.local @!p0 [hbm:s0], s1  }
0xf2: {  	s0 =	simm.s32 @!p0 $0xE  }
0xf3: {  	_ =	swait.ge @!p0 [sflag:s0], s1  }
0xf4: {  	s1 =	ssub.s32 @!p0 $0x0, s1;
	[sflag:s0] =	ssyncset.done @!p0 $0x0  }
0xf5: {  	[sflag:s0] =	ssyncadd.s32 @!p0 s1  }
0xf6: {  	[bflag:$0x3] =	sbarrier.arrive $0xFFFF  }
0xf7: {  	_ =	shalt  }

// kernel: kernel.9.cloned.1.call-start
scs
__scs_entry_jumppad:
0x0: {  	(pc) =	sbr.rel $0x88, $3  }
0x1: {  	(tag) =	ssettag $0x0;
	lr =	simm.s32 $0x1  }
0x2: {  	[smem:$0x3F9B] =	sst lr;
	_ =	strace $0xD0000000  }
0x3: {  	_ = 	snop  }
0x4: {  	_ = 	snop  }
0x5: {  	_ = 	snop  }
0x6: {  	_ = 	snop  }
0x7: {  	_ = 	snop  }
__scs_overlays_trampoline_lowered:
0x8: {  	[smem:$0x3FAA] =	sst s0  }
0x9: {  	[smem:$0x3FAB] =	sst s1  }
0xa: {  	[smem:$0x3FAC] =	sst s2  }
0xb: {  	[smem:$0x3FAD] =	sst s3  }
0xc: {  	[smem:$0x3FAE] =	sst s4  }
0xd: {  	[smem:$0x3FAF] =	sst s5  }
0xe: {  	[smem:$0x3FB0] =	sst s6  }
0xf: {  	[smem:$0x3FB1] =	sst s7  }
0x10: {  	[smem:$0x3FB2] =	sst s8  }
0x11: {  	[smem:$0x3FB3] =	sst s9;
	s0 =	simm.s32 @!p0 $0x0  }
0x12: {  	s1 =	sld [smem:$0x3F99];
	s0 =	simm.s32 @p0 $0x1  }
0x13: {  	[smem:$0x3FB4] =	sst s0;
	s0 =	simm.s32 @!p1 $0x0  }
0x14: {  	s2 =	sld [smem:$0x3F98];
	s0 =	simm.s32 @p1 $0x1  }
0x15: {  	[smem:$0x3FB5] =	sst s0;
	s0 =	simm.s32 @!p2 $0x0  }
0x16: {  	s3 =	sld [smem:$0x3FDB];
	s0 =	simm.s32 @p2 $0x1  }
0x17: {  	s4 =	simm.s32 $0x1BF5;
	[smem:$0x3FB7] =	sst s0  }
0x18: {  	s0 =	sld [smem:$0x3F9A];
	_ =	swait.ge [sflag:s4], $0x0  }
0x19: {  	s7 =	sld [smem:$0x3F9B]  }
0x1a: {  	s8 =	sadd.s32 $0xFFFFE003, lr  }
0x1b: {  	s9 =	sadd.s32 $0xFFFFFEF7, lr;
	s5 =	simm.s32 $0xFFFFFFFF;
	p2 =	slt.u32 s8, $0xFFFFF086  }
0x1c: {  	p1 =	slt.u32 s9, $0xF7A;
	s5 =	simm.s32 @!p2 $0x0  }
0x1d: {  	s5 =	simm.s32 @p1 $0x1;
	p0 =	seq.s32 s7, s2  }
0x1e: {  	s7 =	smul.u32 @!p0 $0xF7A, s2;
	p2 =	seq.s32 @!p0 s5, $0x0  }
0x1f: {  	s9 =	smul.u32 $0xF7A, s1;
	s8 =	simm.s32 @!p0 $0x1BF5;
	p2 =	por !p2, p0  }
0x20: {  	[sflag:s8] =	ssyncset.s32 @!p0 $0xFFFFF086;
	s6 =	sadd.s32 @!p0 s3, s7;
	s7 =	simm.s32 @!p0 $0x108  }
0x21: {  	s3 =	sadd.s32 s3, s9;
	s6 =	sadd.s32 @!p0 $0x88, s6;
	s7 =	simm.s32 @p2 $0x1082  }
0x22: {  	[simem:s7], [sflag:s8] =	dma.local @!p0 [hbm:s6], $0xF7A  }
0x23: {  	s9 =	sor.u32 $0xD0000000, s2;
	s6 =	simm.s32 $0x108;
	_ =	swait.ge @!p0 [sflag:s8], $0x0  }
0x24: {  	s3 =	sadd.s32 $0x88, s3;
	s6 =	simm.s32 @!p1 $0x1082;
	[sflag:s4] =	ssyncset.s32 $0xFFFFF086  }
0x25: {  	[simem:s6], [sflag:s4] =	dma.local [hbm:s3], $0xF7A  }
0x26: {  	[smem:$0x3F9B] =	sst s1;
	(tag) =	ssettag s2;
	_ =	strace s9  }
0x27: {  	s1 =	sld [smem:$0x3FAB]  }
0x28: {  	s2 =	sld [smem:$0x3FAC]  }
0x29: {  	s4 =	sld [smem:$0x3FAE]  }
0x2a: {  	p0 =	seq.s32 s5, $0x0;
	s5 =	sld [smem:$0x3FAF]  }
0x2b: {  	s6 =	sld [smem:$0x3FB0]  }
0x2c: {  	s7 =	sld [smem:$0x3FB1]  }
0x2d: {  	s3 =	simm.s32 $0x108;
	s8 =	sld [smem:$0x3FB2]  }
0x2e: {  	s3 =	simm.s32 @!p0 $0x1082;
	s9 =	sld [smem:$0x3FB3]  }
0x2f: {  	lr =	sadd.s32 s0, s3;
	s0 =	sld [smem:$0x3FAA]  }
0x30: {  	s3 =	sld [smem:$0x3FAD]  }
0x31: {  	[smem:$0x3FB6] =	sst s10  }
0x32: {  	s10 =	sld [smem:$0x3FB4];
	_ =	sdelay $0x3  }
0x33: {  	p0 =	seq.s32 s10, $0x1;
	s10 =	sld [smem:$0x3FB6];
	_ =	sdelay $0x3  }
0x34: {  	[smem:$0x3FB6] =	sst s10  }
0x35: {  	s10 =	sld [smem:$0x3FB5];
	_ =	sdelay $0x3  }
0x36: {  	p1 =	seq.s32 s10, $0x1;
	s10 =	sld [smem:$0x3FB6];
	_ =	sdelay $0x3  }
0x37: {  	[smem:$0x3FB6] =	sst s10  }
0x38: {  	s10 =	sld [smem:$0x3FB7]  }
0x39: {  	_ = 	snop;
	(pc) =	sbr.ind lr, $3  }
0x3a: {  	_ = 	snop  }
0x3b: {  	_ = 	snop  }
0x3c: {  	p2 =	seq.s32 s10, $0x1;
	s10 =	sld [smem:$0x3FB6]  }
0x3d: {  	_ =	shalt  }
0x3e: {  	_ =	shalt  }
0x3f: {  	_ =	shalt  }
0x40: {  	_ =	shalt  }
0x41: {  	_ =	shalt  }
0x42: {  	_ =	shalt  }
0x43: {  	_ =	shalt  }
0x44: {  	_ =	shalt  }
0x45: {  	_ =	shalt  }
0x46: {  	_ =	shalt  }
0x47: {  	_ =	shalt  }
0x48: {  	_ =	shalt  }
0x49: {  	_ =	shalt  }
0x4a: {  	_ =	shalt  }
0x4b: {  	_ =	shalt  }
0x4c: {  	_ =	shalt  }
0x4d: {  	_ =	shalt  }
0x4e: {  	_ =	shalt  }
0x4f: {  	_ =	shalt  }
0x50: {  	_ =	shalt  }
0x51: {  	_ =	shalt  }
0x52: {  	_ =	shalt  }
0x53: {  	_ =	shalt  }
0x54: {  	_ =	shalt  }
0x55: {  	_ =	shalt  }
0x56: {  	_ =	shalt  }
0x57: {  	_ =	shalt  }
0x58: {  	_ =	shalt  }
0x59: {  	_ =	shalt  }
0x5a: {  	_ =	shalt  }
0x5b: {  	_ =	shalt  }
0x5c: {  	_ =	shalt  }
0x5d: {  	_ =	shalt  }
0x5e: {  	_ =	shalt  }
0x5f: {  	_ =	shalt  }
0x60: {  	_ =	shalt  }
0x61: {  	_ =	shalt  }
0x62: {  	_ =	shalt  }
0x63: {  	_ =	shalt  }
0x64: {  	_ =	shalt  }
0x65: {  	_ =	shalt  }
0x66: {  	_ =	shalt  }
0x67: {  	_ =	shalt  }
0x68: {  	_ =	shalt  }
0x69: {  	_ =	shalt  }
0x6a: {  	_ =	shalt  }
0x6b: {  	_ =	shalt  }
0x6c: {  	_ =	shalt  }
0x6d: {  	_ =	shalt  }
0x6e: {  	_ =	shalt  }
0x6f: {  	_ =	shalt  }
0x70: {  	_ =	shalt  }
0x71: {  	_ =	shalt  }
0x72: {  	_ =	shalt  }
0x73: {  	_ =	shalt  }
0x74: {  	_ =	shalt  }
0x75: {  	_ =	shalt  }
0x76: {  	_ =	shalt  }
0x77: {  	_ =	shalt  }
0x78: {  	_ =	shalt  }
0x79: {  	_ =	shalt  }
0x7a: {  	_ =	shalt  }
0x7b: {  	_ =	shalt  }
0x7c: {  	_ =	shalt  }
0x7d: {  	_ =	shalt  }
0x7e: {  	_ =	shalt  }
0x7f: {  	_ =	shalt  }
0x80: {  	_ =	shalt  }
0x81: {  	_ =	shalt  }
0x82: {  	_ =	shalt  }
0x83: {  	_ =	shalt  }
0x84: {  	_ =	shalt  }
0x85: {  	_ =	shalt  }
0x86: {  	_ =	shalt  }
0x87: {  	_ =	shalt  }
.Lfunc_end0:
.L_simem_size_0:
called_computation.1_lowered:
.L_overlay_start_0:
0x88: {  	s0 =	sld [smem:$0x3FD9]  }
0x89: {  	s1 =	sld [smem:$0x3FFE];
	_ =	sdelay $0x3  }
0x8a: {  	s0 =	sadd.s32 s1, s0  }
0x8b: {  	[smem:$0x3FC2] =	sst s0  }
0x8c: {  	_ = 	snop  }
0x8d: {  	(tm) =	ssettm $0x1  }
0x8e: {  	s15 =	sld [smem:$0x3FFB];
	_ =	sdelay $0x3  }
0x8f: {  	_ =	strace s15  }
0x90: {  	s0 =	sld [smem:$0x3FFC];
	_ =	sdelay $0x3  }
0x91: {  	_ =	strace s0  }
0x92: {  	s0 =	sld [smem:$0x3FFD];
	_ =	sdelay $0x3  }
0x93: {  	_ =	strace s0  }
0x94: {  	_ =	strace $0x8FFFFFFF  }
0x95: {  	s16 =	sld [smem:$0x3FDB];
	_ =	sdelay $0x1  }
0x96: {  	s17 =	simm.s32 $_scs_section_size  }
0x97: {  	s2 =	simm.s32 $_size__tile_overlayer_lowered;
	s3 =	simm.s32 $_tile_overlayer_lowered  }
0x98: {  	s20 =	simm.s32 $0x1BFF;
	s19 =	sshll.u32 s3, $0x1;
	s0 =	sadd.s32 s17, s16  }
0x99: {  	s4 =	simm.s32 $0x0;
	s18 =	sshll.u32 s2, $0x1;
	s2 =	sadd.s32 s19, s0  }
0x9a: {  	[timem:s4], [sflag:s20] =	dma.local [hbm:s2], s18  }
0x9b: {  	_ =	swait.ge [sflag:s20], s18  }
0x9c: {  	s1 =	ssub.s32 $0x0, s18;
	[sflag:s20] =	ssyncset.done $0x0  }
0x9d: {  	[sflag:s20] =	ssyncadd.s32 s1;
	_ =	sdelay $0x1  }
0x9e: {  	s21 =	simm.s32 $0x1B8B  }
0x9f: {  	_ =	swait.ge [sflag:s21], $0x1  }
0xa0: {  	[sflag:s21] =	ssyncset.done $0x0  }
0xa1: {  	s23 =	simm.s32 $0x1B8E;
	s22 =	sld [smem:$0x3FFE];
	[sflag:s21] =	ssyncadd.s32 $0xFFFFFFFF  }
0xa2: {  	s24 =	simm.s32 $execute0_lowered;
	[smem:$0x3FD2] =	sst s23  }
0xa3: {  	s2 =	sshll.u32 s24, $0x1;
	_ =	strace $0x80000049;
	[dreg:$0x1] =	wrdreg $0xFFFFFFFF  }
0xa4: {  	s25 =	simm.s32 $_size_execute0_lowered;
	s0 =	sadd.s32 s0, s2;
	[dreg:$0x0] =	wrdreg $0x0  }
0xa5: {  	s2 =	sshll.u32 s25, $0x1;
	[dreg:$0x2] =	wrdreg s0  }
0xa6: {  	[dreg:$0x3] =	wrdreg s2  }
0xa7: {  	[dreg:$0x4] =	wrdreg $0xC0  }
0xa8: {  	_ =	task [dreg:s4], $0x5FFFF  }
0xa9: {  	[dreg:$0x1] =	wrdreg $0xFFFFFFFF  }
0xaa: {  	[dreg:$0x0] =	wrdreg $0x60  }
0xab: {  	[dreg:$0x2] =	wrdreg s22  }
0xac: {  	[dreg:$0x3] =	wrdreg $0x0  }
0xad: {  	[dreg:$0x4] =	wrdreg $0x9  }
0xae: {  	_ =	task.clear_ibuf [dreg:s4], $0x5FFFF;
	_ =	strace $0x90000049  }
0xaf: {  	s26 =	simm.s32 $0x9;
	_ =	strace $0x8000004B  }
0xb0: {  	_ =	swait.ge [sflag:s26], $0x1  }
0xb1: {  	[sflag:s26] =	ssyncadd.s32 $0xFFFFFFFF  }
0xb2: {  	_ =	strace $0x9000004B  }
0xb3: {  	_ =	sfence  }
0xb4: {  	s28 =	sld [smem:$0x0];
	_ =	sdelay $0x1  }
0xb5: {  	s29 =	srdreg.scid  }
0xb6: {  	s30 =	sshll.u32 s29, $0xD;
	s31 =	sshrl.u32 s29, $0x2  }
0xb7: {  	s1 =	sand.u32 $0x1, s29;
	s2 =	sand.u32 $0x4000, s30;
	s0 =	sadd.s32 s31, s28  }
0xb8: {  	s1 =	sor.u32 s2, s1;
	s0 =	sshll.u32 s0, $0x11  }
0xb9: {  	s0 =	sor.u32 s0, s1  }
0xba: {  	s0 =	sadd.s32 $0x8F2B, s0  }
0xbb: {  	[sflag:s0] =	ssyncadd.remote.s32 $0x1  }
0xbc: {  	_ =	sfence.sel $0xFFFF  }
0xbd: {  	[dreg:$0x0] =	wrdreg $0xFFFFFFFF;
	(pc) =	sbr.abs _section_cstart, $3  }
0xbe: {  	[dreg:$0x1] =	wrdreg $0xFFFFFFFF  }
0xbf: {  	_ =	task.clear_ibuf [dreg:s4], $0x2FFFF;
	_ =	strace $0x9FFFFFFF  }
0xc0: {  	(tm) =	ssettm $0x7FFFFFFF  }
0xc1: {  	_ =	shalt  }
tec
execute0_lowered:
.L_overlay_start_1:
0x0: {  	(tag) =	ssettag $0x1  }
0x1: {  	s3 =	rddreg [dreg:$0x0]  }
0x2: {  	s4 =	rddreg [dreg:$0x1]  }
0x3: {  	s1 =	stileid.u32;
	s0 =	rddreg [dreg:$0x2];
	s6 =	simm.s32 $0x0  }
0x4: {  	s5 =	smul.u32 $0x280, s1;
	[smem:$0x7FF] =	sst s6  }
0x5: {  	s7 =	smul.u32 $0xA00, s1;
	s9 =	sshll.u32 s1, $0x6;
	s26 =	sadd.s32 $0x600, s3  }
0x6: {  	_ =	strace $0x8000004A;
	s9 =	sor.u32 $0x1C01, s9;
	s2 =	sshrl.u32 s5, $0x3  }
0x7: {  	s5 =	sadd.s32 s5, s4;
	s28 =	sadd.s32 s7, s3;
	s8 =	sadd.s32 s2, s3  }
0x8: {  	s7 =	simm.s32 $0x280;
	s10 =	sshrl.u32 s5, $0x3;
	s8 =	sadd.s32 $0x1E600, s8  }
0x9: {  	[spmem:s10], [sflag:s9] =	dma.local [hbm:s8], $0x50  }
0xa: {  	[tilespmem:s7], [sflag:$0x1] =	stream.linear.gather [hbm4b:s26+s6], $0x2800, $0x38;
	[tilespmem:$0xCE00] =	vst v63  }
0xb: {  	s13 =	simm.s32 $0x2A80;
	s29 =	sadd.s32 $0xA600, s28  }
0xc: {  	[tilespmem:s13], [sflag:$0x1] =	stream.linear.gather [hbm4b:s29+s6], $0x5000, $0x38;
	[tilespmem:$0xCE00] =	vst v63  }
0xd: {  	s31 =	simm.s32 $0x7A80;
	s30 =	sadd.s32 $0x14600, s28;
	s10 =	simm.s32 $0x1  }
0xe: {  	[tilespmem:s31], [sflag:$0x1] =	stream.linear.gather [hbm4b:s30+s6], $0x5000, $0x38;
	[tilespmem:$0xCE00] =	vst v63  }
0xf: {  	_ =	swait.ge [sflag:s10], $0x50  }
0x10: {  	[sflag:s10] =	ssyncset.done $0x0  }
0x11: {  	[sflag:s10] =	ssyncadd.s32 $0xFFFFFFB0  }
0x12: {  	_ =	swait.ge [sflag:s10], $0x2800  }
0x13: {  	[sflag:s10] =	ssyncset.done $0x0  }
0x14: {  	[sflag:s10] =	ssyncadd.s32 $0xFFFFD800  }
0x15: {  	_ =	swait.ge [sflag:s10], $0x5000  }
0x16: {  	[sflag:s10] =	ssyncset.done $0x0  }
0x17: {  	[sflag:s10] =	ssyncadd.s32 $0xFFFFB000  }
0x18: {  	_ =	swait.ge [sflag:s10], $0x5000  }
0x19: {  	[sflag:s10] =	ssyncset.done $0x0  }
0x1a: {  	[sflag:s10] =	ssyncadd.s32 $0xFFFFB000  }
0x1b: {  	[bflag:$0x0] =	sbarrier.arrive $0xFFFF  }
0x1c: {  	v0 =	vld [tilespmem:$0x7A80];
	_ =	sdelay $0x5  }
0x1d: {  	v1 =	vld [tilespmem:$0x7A90];
	_ =	sdelay $0x1  }
0x1e: {  	v0 =	vld.idx.msk [tilespmem:v0+s7+$0x0], $0xffff;
	_ =	sdelay $0x3  }
0x1f: {  	v2 =	vld [tilespmem:$0x7AA0]  }
0x20: {  	[tilespmem:$0xCA80] =	vst v0  }
0x21: {  	v0 =	vld.idx.msk [tilespmem:v1+s7+$0x0], $0xffff;
	_ =	sdelay $0x3  }
0x22: {  	v59 =	vld [tilespmem:$0x7AB0]  }
0x23: {  	[tilespmem:$0xCA90] =	vst v0  }
0x24: {  	v0 =	vld.idx.msk [tilespmem:v2+s7+$0x0], $0xffff;
	_ =	sdelay $0x3  }
0x25: {  	v60 =	vld [tilespmem:$0x7AC0]  }
0x26: {  	[tilespmem:$0xCAA0] =	vst v0  }
0x27: {  	v0 =	vld.idx.msk [tilespmem:v59+s7+$0x0], $0xffff;
	_ =	sdelay $0x3  }
0x28: {  	v61 =	vld [tilespmem:$0x7AD0]  }
0x29: {  	[tilespmem:$0xCAB0] =	vst v0  }
0x2a: {  	v0 =	vld.idx.msk [tilespmem:v60+s7+$0x0], $0xffff;
	_ =	sdelay $0x3  }
0x2b: {  	v62 =	vld [tilespmem:$0x7AE0]  }
0x2c: {  	[tilespmem:$0xCAC0] =	vst v0  }
0x2d: {  	v0 =	vld.idx.msk [tilespmem:v61+s7+$0x0], $0xffff;
	_ =	sdelay $0x3  }
0x2e: {  	v63 =	vld [tilespmem:$0x7AF0]  }
0x2f: {  	[tilespmem:$0xCAD0] =	vst v0  }
0x30: {  	v0 =	vld.idx.msk [tilespmem:v62+s7+$0x0], $0xffff;
	_ =	sdelay $0x4  }
0x31: {  	[tilespmem:$0xCAE0] =	vst v0  }
0x32: {  	v0 =	vld.idx.msk [tilespmem:v63+s7+$0x0], $0xffff;
	_ =	sdelay $0x4  }
0x33: {  	s11 =	simm.s32 $0x80;
	s12 =	simm.s32 $0xCA80;
	s9 =	sadd.s32 $0xC00, s3;
	[tilespmem:$0xCAF0] =	vst v0  }
0x34: {  	[spmem:s4] =	stream.indirect.scatter.add.f32 [tilespmem:s12], [sflag:$0x1], $0x1, s13, s11, $0xb8;
	[tilespmem:$0xCE00] =	vst v63  }
0x35: {  	s8 =	sadd.s32 $0x1200, s3;
	s3 =	sadd.s32 $0x1800, s3;
	s13 =	simm.s32 $0xCB00  }
.LBB2_1:
0x36: {  	s14 =	sshra.s32 s6, $0x2  }
0x37: {  	v0 =	vld [tilespmem:s14+$0x7B00];
	_ =	sdelay $0x7  }
0x38: {  	v0 =	vld.idx.msk [tilespmem:v0+s7+$0x0], $0xffff;
	_ =	sdelay $0x4  }
0x39: {  	[tilespmem:$0xCB00] =	vst v0  }
0x3a: {  	v0 =	vld [tilespmem:s14+$0x7B10];
	_ =	sdelay $0x7  }
0x3b: {  	v0 =	vld.idx.msk [tilespmem:v0+s7+$0x0], $0xffff;
	_ =	sdelay $0x4  }
0x3c: {  	[tilespmem:$0xCB10] =	vst v0  }
0x3d: {  	v0 =	vld [tilespmem:s14+$0x7B20];
	_ =	sdelay $0x7  }
0x3e: {  	v0 =	vld.idx.msk [tilespmem:v0+s7+$0x0], $0xffff;
	_ =	sdelay $0x4  }
0x3f: {  	[tilespmem:$0xCB20] =	vst v0  }
0x40: {  	v0 =	vld [tilespmem:s14+$0x7B30];
	_ =	sdelay $0x7  }
0x41: {  	v0 =	vld.idx.msk [tilespmem:v0+s7+$0x0], $0xffff;
	_ =	sdelay $0x4  }
0x42: {  	[tilespmem:$0xCB30] =	vst v0  }
0x43: {  	v0 =	vld [tilespmem:s14+$0x7B40];
	_ =	sdelay $0x7  }
0x44: {  	v0 =	vld.idx.msk [tilespmem:v0+s7+$0x0], $0xffff;
	_ =	sdelay $0x4  }
0x45: {  	[tilespmem:$0xCB40] =	vst v0  }
0x46: {  	v0 =	vld [tilespmem:s14+$0x7B50];
	_ =	sdelay $0x7  }
0x47: {  	v0 =	vld.idx.msk [tilespmem:v0+s7+$0x0], $0xffff;
	_ =	sdelay $0x4  }
0x48: {  	[tilespmem:$0xCB50] =	vst v0  }
0x49: {  	v0 =	vld [tilespmem:s14+$0x7B60];
	_ =	sdelay $0x7  }
0x4a: {  	v0 =	vld.idx.msk [tilespmem:v0+s7+$0x0], $0xffff;
	_ =	sdelay $0x4  }
0x4b: {  	[tilespmem:$0xCB60] =	vst v0  }
0x4c: {  	v0 =	vld [tilespmem:s14+$0x7B70];
	_ =	sdelay $0x7  }
0x4d: {  	v0 =	vld.idx.msk [tilespmem:v0+s7+$0x0], $0xffff;
	_ =	sdelay $0x4  }
0x4e: {  	[tilespmem:$0xCB70] =	vst v0  }
0x4f: {  	_ =	swait.ge [sflag:s10], $0x80  }
0x50: {  	[sflag:s10] =	ssyncset.done $0x0  }
0x51: {  	s15 =	sadd.s32 $0x2B00, s14;
	[sflag:s10] =	ssyncadd.s32 $0xFFFFFF80  }
0x52: {  	[spmem:s4] =	stream.indirect.scatter.add.f32 [tilespmem:s13], [sflag:$0x1], $0x1, s15, s11, $0xb8;
	[tilespmem:$0xCE00] =	vst v63  }
0x53: {  	v63 =	vld [tilespmem:s14+$0x7B80];
	_ =	sdelay $0x7  }
0x54: {  	v0 =	vld.idx.msk [tilespmem:v63+s7+$0x0], $0xffff;
	_ =	sdelay $0x4  }
0x55: {  	[tilespmem:$0xCA80] =	vst v0  }
0x56: {  	v0 =	vld [tilespmem:s14+$0x7B90];
	_ =	sdelay $0x7  }
0x57: {  	v0 =	vld.idx.msk [tilespmem:v0+s7+$0x0], $0xffff;
	_ =	sdelay $0x4  }
0x58: {  	[tilespmem:$0xCA90] =	vst v0  }
0x59: {  	v0 =	vld [tilespmem:s14+$0x7BA0];
	_ =	sdelay $0x7  }
0x5a: {  	v0 =	vld.idx.msk [tilespmem:v0+s7+$0x0], $0xffff;
	_ =	sdelay $0x4  }
0x5b: {  	[tilespmem:$0xCAA0] =	vst v0  }
0x5c: {  	v0 =	vld [tilespmem:s14+$0x7BB0];
	_ =	sdelay $0x7  }
0x5d: {  	v0 =	vld.idx.msk [tilespmem:v0+s7+$0x0], $0xffff;
	_ =	sdelay $0x4  }
0x5e: {  	[tilespmem:$0xCAB0] =	vst v0  }
0x5f: {  	v0 =	vld [tilespmem:s14+$0x7BC0];
	_ =	sdelay $0x7  }
0x60: {  	v0 =	vld.idx.msk [tilespmem:v0+s7+$0x0], $0xffff;
	_ =	sdelay $0x4  }
0x61: {  	[tilespmem:$0xCAC0] =	vst v0  }
0x62: {  	v0 =	vld [tilespmem:s14+$0x7BD0];
	_ =	sdelay $0x7  }
0x63: {  	v0 =	vld.idx.msk [tilespmem:v0+s7+$0x0], $0xffff;
	_ =	sdelay $0x4  }
0x64: {  	[tilespmem:$0xCAD0] =	vst v0  }
0x65: {  	v0 =	vld [tilespmem:s14+$0x7BE0];
	_ =	sdelay $0x7  }
0x66: {  	v0 =	vld.idx.msk [tilespmem:v0+s7+$0x0], $0xffff;
	_ =	sdelay $0x4  }
0x67: {  	[tilespmem:$0xCAE0] =	vst v0  }
0x68: {  	v0 =	vld [tilespmem:s14+$0x7BF0];
	_ =	sdelay $0x7  }
0x69: {  	v0 =	vld.idx.msk [tilespmem:v0+s7+$0x0], $0xffff;
	_ =	sdelay $0x3  }
0x6a: {  	p0 =	sne.s32 s6, $0x13800  }
.Ltmp0:
0x6b: {  	[tilespmem:$0xCAF0] =	vst v0;
	(pc) =	sbr.rel @p0 .LBB2_1-.Ltmp0, $4  }
0x6c: {  	_ =	swait.ge [sflag:s10], $0x80  }
0x6d: {  	[sflag:s10] =	ssyncset.done $0x0  }
0x6e: {  	s6 =	sadd.s32 $0x400, s6;
	s14 =	sadd.s32 $0x2B80, s14;
	[sflag:s10] =	ssyncadd.s32 $0xFFFFFF80  }
0x6f: {  	[spmem:s4] =	stream.indirect.scatter.add.f32 [tilespmem:s12], [sflag:$0x1], $0x1, s14, s11, $0xb8;
	[tilespmem:$0xCE00] =	vst v63  }
0x70: {  	v0 =	vld [tilespmem:$0xCA00];
	_ =	sdelay $0x5  }
0x71: {  	v1 =	vld [tilespmem:$0xCA10]  }
0x72: {  	s6 =	simm.s32 $0x280  }
0x73: {  	v0 =	vld.idx.msk [tilespmem:v0+s6+$0x0], $0xffff;
	_ =	sdelay $0x3  }
0x74: {  	v2 =	vld [tilespmem:$0xCA20]  }
0x75: {  	[tilespmem:$0xCB00] =	vst v0  }
0x76: {  	v0 =	vld.idx.msk [tilespmem:v1+s6+$0x0], $0xffff;
	_ =	sdelay $0x3  }
0x77: {  	v1 =	vld [tilespmem:$0xCA30]  }
0x78: {  	[tilespmem:$0xCB10] =	vst v0  }
0x79: {  	v0 =	vld.idx.msk [tilespmem:v2+s6+$0x0], $0xffff;
	_ =	sdelay $0x3  }
0x7a: {  	v2 =	vld [tilespmem:$0xCA40]  }
0x7b: {  	[tilespmem:$0xCB20] =	vst v0  }
0x7c: {  	v0 =	vld.idx.msk [tilespmem:v1+s6+$0x0], $0xffff;
	_ =	sdelay $0x3  }
0x7d: {  	v1 =	vld [tilespmem:$0xCA50]  }
0x7e: {  	[tilespmem:$0xCB30] =	vst v0  }
0x7f: {  	v0 =	vld.idx.msk [tilespmem:v2+s6+$0x0], $0xffff;
	_ =	sdelay $0x3  }
0x80: {  	v2 =	vld [tilespmem:$0xCA60]  }
0x81: {  	[tilespmem:$0xCB40] =	vst v0  }
0x82: {  	v0 =	vld.idx.msk [tilespmem:v1+s6+$0x0], $0xffff;
	_ =	sdelay $0x3  }
0x83: {  	v1 =	vld [tilespmem:$0xCA70]  }
0x84: {  	[tilespmem:$0xCB50] =	vst v0  }
0x85: {  	v0 =	vld.idx.msk [tilespmem:v2+s6+$0x0], $0xffff;
	_ =	sdelay $0x4  }
0x86: {  	[tilespmem:$0xCB60] =	vst v0  }
0x87: {  	v0 =	vld.idx.msk [tilespmem:v1+s6+$0x0], $0xffff;
	_ =	sdelay $0x4  }
0x88: {  	s7 =	simm.s32 $0x1;
	[tilespmem:$0xCB70] =	vst v0  }
0x89: {  	_ =	swait.ge [sflag:s7], $0x80  }
0x8a: {  	s10 =	simm.s32 $0x80;
	[sflag:s7] =	ssyncset.done $0x0  }
0x8b: {  	s11 =	simm.s32 $0x7A00;
	s12 =	simm.s32 $0xCB00;
	[sflag:s7] =	ssyncadd.s32 $0xFFFFFF80  }
0x8c: {  	[spmem:s4] =	stream.indirect.scatter.add.f32 [tilespmem:s12], [sflag:$0x1], $0x1, s11, s10, $0xb8;
	[tilespmem:$0xCE00] =	vst v63  }
0x8d: {  	_ =	swait.ge [sflag:s7], $0x80  }
0x8e: {  	[sflag:s7] =	ssyncset.done $0x0  }
0x8f: {  	[sflag:s7] =	ssyncadd.s32 $0xFFFFFF80  }
0x90: {  	s25 =	simm.s32 $0x2;
	[bflag:$0x0] =	sbarrier.arrive $0xFFFF  }
0x91: {  	[tilespmem:s6], [sflag:$0x2] =	stream.linear.gather [spmem:s5], $0x280, $0x38;
	[tilespmem:$0xCE00] =	vst v63  }
0x92: {  	_ =	swait.ge [sflag:s25], $0x280  }
0x93: {  	s26 =	sadd.s32 s9, s2;
	[sflag:s25] =	ssyncset.done $0x0  }
0x94: {  	s28 =	simm.s32 $0x0;
	s29 =	simm.s32 $0x500;
	[sflag:s25] =	ssyncadd.s32 $0xFFFFFD80  }
0x95: {  	[tilespmem:s29], [sflag:$0x2] =	stream.linear.gather [hbm4b:s26+s28], $0x280, $0x38;
	[tilespmem:$0xCE00] =	vst v63  }
0x96: {  	_ =	swait.ge [sflag:s25], $0x280  }
0x97: {  	[sflag:s25] =	ssyncset.done $0x0  }
0x98: {  	s30 =	sadd.s32 s8, s2;
	s31 =	simm.s32 $0x780;
	[sflag:s25] =	ssyncadd.s32 $0xFFFFFD80  }
0x99: {  	[tilespmem:s31], [sflag:$0x2] =	stream.linear.gather [hbm4b:s30+s28], $0x280, $0x38;
	[tilespmem:$0xCE00] =	vst v63  }
0x9a: {  	_ =	swait.ge [sflag:s25], $0x280  }
0x9b: {  	[sflag:s25] =	ssyncset.done $0x0  }
0x9c: {  	s6 =	simm.s32 $0x0;
	[sflag:s25] =	ssyncadd.s32 $0xFFFFFD80  }
0x9d: {  	v0 =	vld [tilespmem:s6+$0x780];
	_ =	sdelay $0x4  }
0x9e: {  	(erf) = vrcp.f32 v0;
	_ =	sdelay $0x2  }
0x9f: {  	s4 =	simm.s32 $0x10  }
0xa0: {  	v1 =	vld [tilespmem:s4+$0x780];
	_ =	sdelay $0x3  }
0xa1: {  	s5 =	simm.s32 $0x20;
	v3 =	vld [tilespmem:s6+$0x280]  }
0xa2: {  	v2 =	vld [tilespmem:s5+$0x780];
	v4 =	vpop (erf);
	(erf) = vrcp.f32 v1  }
0xa3: {  	v0 =	vld [tilespmem:s6+$0x500];
	_ =	sdelay $0x2  }
0xa4: {  	v3 =	vmul.f32 v4, v3  }
0xa5: {  	s7 =	simm.s32 $0xC0;
	v1 =	vld [tilespmem:s4+$0x280]  }
.LBB2_3:
0xa6: {  	s8 =	sshra.s32 s7, $0x2;
	p0 =	sne.s32 s7, $0x9C0;
	s7 =	sadd.s32 $0x40, s7;
	(erf) = vrcp.f32 v2;
	v4 =	vadd.f32 v3, v0;
	v0 =	vld [tilespmem:s4+$0x500]  }
.Ltmp1:
0xa7: {  	v2 =	vld [tilespmem:s8+$0x780];
	(pc) =	sbr.rel @p0 .LBB2_3-.Ltmp1, $4  }
0xa8: {  	[tilespmem:s6+$0xCB80] =	vst v4;
	s6 =	smov.u32 s4;
	s4 =	smov.u32 s5;
	s5 =	smov.u32 s8  }
0xa9: {  	v3 =	vpop (erf)  }
0xaa: {  	v3 =	vmul.f32 v3, v1  }
0xab: {  	v1 =	vld [tilespmem:s4+$0x280]  }
0xac: {  	(erf) = vrcp.f32 v2;
	_ =	sdelay $0x1  }
0xad: {  	v0 =	vadd.f32 v3, v0;
	_ =	sdelay $0x1  }
0xae: {  	v61 =	vld [tilespmem:s4+$0x500];
	[tilespmem:s6+$0xCB80] =	vst v0  }
0xaf: {  	v0 =	vld [tilespmem:s5+$0x280];
	_ =	sdelay $0x1  }
0xb0: {  	v62 =	vld [tilespmem:s5+$0x500]  }
0xb1: {  	v4 =	vpop (erf)  }
0xb2: {  	v1 =	vmul.f32 v4, v1;
	v63 =	vpop (erf)  }
0xb3: {  	v0 =	vmul.f32 v63, v0  }
0xb4: {  	v1 =	vadd.f32 v1, v61  }
0xb5: {  	v0 =	vadd.f32 v0, v62  }
0xb6: {  	s2 =	sadd.s32 s3, s2;
	[tilespmem:s4+$0xCB80] =	vst v1  }
0xb7: {  	s29 =	simm.s32 $0x0;
	s30 =	simm.s32 $0xCB80;
	s31 =	simm.s32 $0x2;
	[tilespmem:s5+$0xCB80] =	vst v0  }
0xb8: {  	[hbm4b:s2+s29] =	stream.linear.scatter [tilespmem:s30], [sflag:$0x2], $0x280, $0x38;
	[tilespmem:$0xCE00] =	vst v63  }
0xb9: {  	_ =	swait.ge [sflag:s31], $0x280  }
0xba: {  	[sflag:s31] =	ssyncset.done $0x0  }
0xbb: {  	[sflag:s31] =	ssyncadd.s32 $0xFFFFFD80  }
0xbc: {  	_ =	sfence.sel $0x180000  }
0xbd: {  	[bflag:$0x0] =	sbarrier.arrive $0xFFFF  }
0xbe: {  	p0 =	sne.s32 s1, $0x0;
	_ =	strace $0x9000004A  }
0xbf: {  	s0 =	sadd.s32 @!p0 $0x100000, s0;
	[bflag:$0x2] =	sbarrier.arrive $0xFFFF  }
0xc0: {  	[sflag:s0] =	ssyncadd.tile.s32 @!p0 $0x1;
	_ =	shalt  }
.Lfunc_end2:
_tile_overlayer_lowered:
.L_overlay_start_2:
0xc1: {  	(tag) =	ssettag $0x2  }
0xc2: {  	s0 =	rddreg [dreg:$0x0];
	s2 =	stileid.u32  }
0xc3: {  	s1 =	rddreg [dreg:$0x1];
	p0 =	sne.s32 s2, $0x0  }
0xc4: {  	s3 =	rddreg [dreg:$0x2];
	[bflag:$0x3] =	sbarrier.arrive $0xFFFF;
	s2 =	simm.s32 @!p0 $0x1C02  }
0xc5: {  	[timem:s3], [sflag:s2] =	dma.local @!p0 [hbm:s0], s1  }
0xc6: {  	s0 =	simm.s32 @!p0 $0x2  }
0xc7: {  	_ =	swait.ge @!p0 [sflag:s0], s1  }
0xc8: {  	s1 =	ssub.s32 @!p0 $0x0, s1;
	[sflag:s0] =	ssyncset.done @!p0 $0x0  }
0xc9: {  	[sflag:s0] =	ssyncadd.s32 @!p0 s1  }
0xca: {  	[bflag:$0x3] =	sbarrier.arrive $0xFFFF  }
0xcb: {  	_ =	shalt  }

</sc_bundles>
